<compile_context>
chip_gen: v7x
topology: tpu7x:2x2x1
jax: 0.10.2.dev20260603
libtpu: 0.0.44.dev20260713+nightly
codegen_flags: <defaults>
</compile_context>

<pallas_src>
import functools

import jax
import jax.numpy as jnp
import numpy as np
from jax import lax
from jax.experimental import pallas as pl
from jax.experimental.pallas import tpu as pltpu
from jax.experimental.pallas import tpu_sc as plsc

_NF = 26
_ED = 16
_B = 16384
_TOTAL = 26 * 100000
_D = _NF * _ED
_OFFS = np.arange(_NF, dtype=np.int32) * 100000

_ROWS = _B * _NF
_C = 104
_T = _ROWS // _C
_NW = 32
_TPW = _T // _NW
_G = 8
_NG = _TPW // _G
_GR = _G * _C


def _sc_gather(idx2d, emb_table, fc_flat):
    mesh = plsc.VectorSubcoreMesh(core_axis_name="c", subcore_axis_name="s")

    @functools.partial(
        pl.kernel,
        out_type=(
            jax.ShapeDtypeStruct((_ROWS, _ED), jnp.float32),
            jax.ShapeDtypeStruct((_ROWS,), jnp.float32),
        ),
        mesh=mesh,
        scratch_types=[
            pltpu.VMEM((_TPW, _C), jnp.int32),
            pltpu.VMEM((_GR, _ED), jnp.float32),
            pltpu.VMEM((_GR,), jnp.float32),
            pltpu.SemaphoreType.DMA,
            pltpu.SemaphoreType.DMA,
        ],
        compiler_params=pltpu.CompilerParams(use_tc_tiling_on_sc=False),
    )
    def k(idx_hbm, emb_hbm, fc_hbm, emb_out, fc_out, idx_v, ebuf, fbuf, esem, fsem):
        wid = lax.axis_index("s") * 2 + lax.axis_index("c")
        tbase = wid * _TPW
        pltpu.sync_copy(idx_hbm.at[pl.ds(tbase, _TPW)], idx_v)

        def group(g, carry):
            copies = []
            for b in range(_G):
                j = g * _G + b
                copies.append(pltpu.async_copy(
                    emb_hbm.at[idx_v.at[j]], ebuf.at[pl.ds(b * _C, _C)], esem))
                copies.append(pltpu.async_copy(
                    fc_hbm.at[idx_v.at[j]], fbuf.at[pl.ds(b * _C, _C)], fsem))
            for cp in copies:
                cp.wait()
            rbase = (tbase + g * _G) * _C
            pltpu.sync_copy(ebuf, emb_out.at[pl.ds(rbase, _GR)])
            pltpu.sync_copy(fbuf, fc_out.at[pl.ds(rbase, _GR)])
            return carry

        lax.fori_loop(0, _NG, group, 0)

    return k(idx2d, emb_table, fc_flat)


_CB = 16384


_TGRID = (_TOTAL + _CB - 1) // _CB
_TPAD = _TGRID * _CB


def _transpose_body(x_ref, f_ref, o_ref, o2_ref):
    x = x_ref[:]
    y = x.T.reshape(_CB // 8, 8, 16)
    for a in range(8):
        o_ref[:, 16 * a:16 * a + 16] = y[:, a, :]
    o2_ref[:] = f_ref[:].reshape(_CB // 128, 128)


def _tc_transpose(emb_p, fc_p, interpret=False):
    return pl.pallas_call(
        _transpose_body,
        grid=(_TGRID,),
        in_specs=[
            pl.BlockSpec((16, _CB), lambda i: (0, i)),
            pl.BlockSpec((1, _CB), lambda i: (0, i)),
        ],
        out_specs=[
            pl.BlockSpec((_CB // 8, 128), lambda i: (i, 0)),
            pl.BlockSpec((_CB // 128, 128), lambda i: (i, 0)),
        ],
        out_shape=[
            jax.ShapeDtypeStruct((_TPAD // 8, 128), jnp.float32),
            jax.ShapeDtypeStruct((_TPAD // 128, 128), jnp.float32),
        ],
        interpret=interpret,
    )(emb_p, fc_p)


def _tc_body(e_ref, w_ref, bg_ref, fc_ref, bias_ref, out_ref):
    e = e_ref[:]
    z = jnp.dot(e, w_ref[:], preferred_element_type=jnp.float32) + bg_ref[:]
    gate = jax.nn.sigmoid(z)
    g = e * gate
    sel = (lax.broadcasted_iota(jnp.int32, (_D, _ED), 0) % _ED ==
           lax.broadcasted_iota(jnp.int32, (_D, _ED), 1)).astype(jnp.float32)
    s = jnp.dot(g, sel, preferred_element_type=jnp.float32)
    fm = 0.5 * (jnp.sum(s * s, axis=1, keepdims=True)
                - jnp.sum(g * g, axis=1, keepdims=True))
    lin = jnp.sum(fc_ref[:], axis=1, keepdims=True)
    out_ref[:] = fm + lin + bias_ref[:]


def _tc_compute(eg, fcg, W_g, b_g2, bias2, interpret=False):
    bb = 1024
    grid = _B // bb
    return pl.pallas_call(
        _tc_body,
        grid=(grid,),
        in_specs=[
            pl.BlockSpec((bb, _D), lambda i: (i, 0)),
            pl.BlockSpec((_D, _D), lambda i: (0, 0)),
            pl.BlockSpec((1, _D), lambda i: (0, 0)),
            pl.BlockSpec((bb, _NF), lambda i: (i, 0)),
            pl.BlockSpec((1, 1), lambda i: (0, 0)),
        ],
        out_specs=pl.BlockSpec((bb, 1), lambda i: (i, 0)),
        out_shape=jax.ShapeDtypeStruct((_B, 1), jnp.float32),
        interpret=interpret,
    )(eg, W_g, b_g2, fcg, bias2)


def kernel(x, emb_table, fc_table, fc_bias, W_g, b_g):
    xi = (x.astype(jnp.int32) + jnp.asarray(_OFFS)[None, :]).reshape(_T, _C)
    emb_c, fc_c = _tc_transpose(emb_table.T, fc_table.T)
    emb_rm = emb_c.reshape(_TPAD, _ED)
    fc_flat = fc_c.reshape(_TPAD)
    emb_rows, fc_rows = _sc_gather(xi, emb_rm, fc_flat)
    eg = emb_rows.reshape(_B, _D)
    fcg = fc_rows.reshape(_B, _NF)
    return _tc_compute(eg, fcg, W_g, b_g.reshape(1, _D), fc_bias.reshape(1, 1))

# --- scband reference (transcript-rebuilt; emitter-appended) ---
"""Pipeline reference for scband-gfrlfm-9904194585374 (READ-ONLY COPY).

The authoritative reference and input builder live on the scoring server;
editing this copy changes nothing except your own understanding.
"""

import jax, jax.numpy as jnp
import numpy as np

FIELD_DIMS = [100000] * 26
NUM_FIELDS = len(FIELD_DIMS)
EMBED_DIM = 16
BATCH = 16384
TOTAL = sum(FIELD_DIMS)
OFFSETS = jnp.asarray(np.concatenate([[0], np.cumsum(FIELD_DIMS)[:-1]]).astype(np.int64))


def setup_inputs(seed: int = 0) -> dict:
    key = jax.random.key(seed)
    k1, k2, k3, k4, k5, k6 = jax.random.split(key, 6)
    x = jax.random.randint(k1, (BATCH, NUM_FIELDS), 0, 100000, dtype=jnp.int64)
    emb_table = jax.random.normal(k2, (TOTAL, EMBED_DIM), dtype=jnp.float32) * 0.01
    fc_table = jax.random.normal(k3, (TOTAL, 1), dtype=jnp.float32) * 0.01
    fc_bias = jnp.zeros((1,), dtype=jnp.float32)
    D = NUM_FIELDS * EMBED_DIM
    W_g = jax.random.normal(k4, (D, D), dtype=jnp.float32) * (1.0 / np.sqrt(D))
    b_g = jnp.zeros((D,), dtype=jnp.float32)
    return {"x": x, "emb_table": emb_table, "fc_table": fc_table,
            "fc_bias": fc_bias, "W_g": W_g, "b_g": b_g}


def reference(x, emb_table, fc_table, fc_bias, W_g, b_g):
    # add per-field offsets into the concatenated tables
    xi = x + OFFSETS[None, :]
    # FeaturesLinear: sum of per-field scalar weights + bias -> (B, 1)
    linear = jnp.sum(jnp.take(fc_table, xi, axis=0), axis=1) + fc_bias
    # FeaturesEmbeddingWithGlobalIn: gather embeddings (B, F, D), then GLU
    # gating with global (flattened) context: out = emb * sigmoid(flat @ W + b)
    emb = jnp.take(emb_table, xi, axis=0)  # (B, F, D)
    B = emb.shape[0]
    flat = emb.reshape(B, NUM_FIELDS * EMBED_DIM)
    gate = jax.nn.sigmoid(flat @ W_g + b_g)
    emb_g = emb * gate.reshape(B, NUM_FIELDS, EMBED_DIM)
    # FactorizationMachine with reduce_sum=True
    square_of_sum = jnp.sum(emb_g, axis=1) ** 2
    sum_of_square = jnp.sum(emb_g ** 2, axis=1)
    fm = 0.5 * jnp.sum(square_of_sum - sum_of_square, axis=1, keepdims=True)
    return linear + fm  # (B, 1)

if __name__ == "__main__":
    import jax
    _d = setup_inputs()
    print(jax.jit(kernel)(*tuple(_d.values())))

</pallas_src>

<mosaic_0001>
#map = affine_map<(d0, d1) -> (0, 0)>
#map1 = affine_map<(d0, d1) -> (0)>
module attributes {stable_mosaic.version = 14 : i64} {
  func.func @k(%arg0: i32, %arg1: i32, %arg2: memref<4096x104xi32, #tpu.memory_space<hbm>>, %arg3: memref<2605056x16xf32, #tpu.memory_space<hbm>>, %arg4: memref<2605056xf32, #tpu.memory_space<hbm>>, %arg5: memref<425984x16xf32, #tpu.memory_space<hbm>>, %arg6: memref<425984xf32, #tpu.memory_space<hbm>>, %arg7: memref<128x104xi32, #tpu.memory_space<vmem>>, %arg8: memref<832x16xf32, #tpu.memory_space<vmem>>, %arg9: memref<832xf32, #tpu.memory_space<vmem>>, %arg10: memref<!tpu.dma_semaphore, #tpu.memory_space<semaphore_mem>>, %arg11: memref<!tpu.dma_semaphore, #tpu.memory_space<semaphore_mem>>) attributes {dimension_semantics = [#tpu.dimension_semantics<core_parallel>, #tpu.dimension_semantics<subcore_parallel>], iteration_bounds = array<i64: 2, 16>, scalar_prefetch = 0 : i64, scratch_operands = 5 : i64, tpu.core_type = #tpu.core_type<sc_vector_subcore>, window_params = [{transform_indices = #map}, {transform_indices = #map}, {transform_indices = #map1}, {transform_indices = #map}, {transform_indices = #map1}]} {
    %mul3A = arith.constant 2 : i32
    %mul3A_0 = arith.muli %arg1, %mul3A : i32
    %add3A = arith.addi %mul3A_0, %arg0 : i32
    %mul3A_1 = arith.constant 128 : i32
    %mul3A_2 = arith.muli %add3A, %mul3A_1 : i32
    "tpu.region"() ({
      %run_scoped3A = tpu.sem_alloc : memref<!tpu.dma_semaphore, #tpu.memory_space<semaphore_mem>>
      %dma_start3A = arith.constant 0 : i32
      %dma_start3A_8 = tpu.memref_slice %arg2[%mul3A_2, %dma_start3A] : memref<4096x104xi32, #tpu.memory_space<hbm>> -> memref<128x104xi32, #tpu.memory_space<hbm>>
      %dma_start3A_9 = arith.constant 0 : i32
      %dma_start3A_10 = tpu.memref_slice %arg2[%mul3A_2, %dma_start3A_9] : memref<4096x104xi32, #tpu.memory_space<hbm>> -> memref<128x104xi32, #tpu.memory_space<hbm>>
      tpu.enqueue_dma source(%dma_start3A_10 : memref<128x104xi32, #tpu.memory_space<hbm>>) target(%arg7 : memref<128x104xi32, #tpu.memory_space<vmem>>) target_semaphore(%run_scoped3A : memref<!tpu.dma_semaphore, #tpu.memory_space<semaphore_mem>>)
      %dma_wait3A = arith.constant 0 : i32
      %dma_wait3A_11 = tpu.memref_slice %arg2[%mul3A_2, %dma_wait3A] : memref<4096x104xi32, #tpu.memory_space<hbm>> -> memref<128x104xi32, #tpu.memory_space<hbm>>
      %dma_wait3A_12 = arith.constant 0 : i32
      %dma_wait3A_13 = tpu.memref_slice %arg2[%mul3A_2, %dma_wait3A_12] : memref<4096x104xi32, #tpu.memory_space<hbm>> -> memref<128x104xi32, #tpu.memory_space<hbm>>
      tpu.wait_dma2 semaphore(%run_scoped3A : memref<!tpu.dma_semaphore, #tpu.memory_space<semaphore_mem>>) src(%dma_wait3A_13 : memref<128x104xi32, #tpu.memory_space<hbm>>) dst(%arg7 : memref<128x104xi32, #tpu.memory_space<vmem>>)
      tpu.yield
    }) : () -> ()
    %scan3A = arith.constant 0 : i32
    %scan3A_3 = arith.constant 0 : i32
    %scan3A_4 = arith.constant 16 : i32
    %scan3A_5 = arith.addi %scan3A_3, %scan3A_4 : i32
    %scan3A_6 = arith.constant 1 : i32
    scf.for %scan3A_8 = %scan3A_3 to %scan3A_5 step %scan3A_6  : i32 {
      %mul3A_9 = arith.constant 8 : i32
      %mul3A_10 = arith.muli %scan3A_8, %mul3A_9 : i32
      %add3A_11 = arith.constant 0 : i32
      %add3A_12 = arith.addi %mul3A_10, %add3A_11 : i32
      %dma_start3A = arith.constant 0 : i32
      %dma_start3A_13 = arith.constant 0 : i32
      %dma_start3A_14 = tpu.memref_slice %arg8[%dma_start3A, %dma_start3A_13] : memref<832x16xf32, #tpu.memory_space<vmem>> -> memref<104x16xf32, #tpu.memory_space<vmem>>
      %dma_start3A_15 = arith.constant 0 : i32
      %dma_start3A_16 = tpu.memref_slice %arg7[%add3A_12, %dma_start3A_15] : memref<128x104xi32, #tpu.memory_space<vmem>> -> memref<1x104xi32, #tpu.memory_space<vmem>>
      %dma_start3A_17 = tpu.memref_squeeze %dma_start3A_16 : memref<1x104xi32, #tpu.memory_space<vmem>> -> memref<104xi32, #tpu.memory_space<vmem>>
      %dma_start3A_18 = arith.constant 0 : i32
      %dma_start3A_19 = arith.constant 0 : i32
      %dma_start3A_20 = tpu.memref_slice %arg3[%dma_start3A_18, %dma_start3A_19] : memref<2605056x16xf32, #tpu.memory_space<hbm>> -> memref<2605056x16xf32, #tpu.memory_space<hbm>>
      tpu.enqueue_indirect_dma source(%dma_start3A_20 : memref<2605056x16xf32, #tpu.memory_space<hbm>>) target(%dma_start3A_14 : memref<104x16xf32, #tpu.memory_space<vmem>>) offsets(%dma_start3A_17 : memref<104xi32, #tpu.memory_space<vmem>>) semaphore(%arg10 : memref<!tpu.dma_semaphore, #tpu.memory_space<semaphore_mem>>)
      %dma_start3A_21 = arith.constant 0 : i32
      %dma_start3A_22 = tpu.memref_slice %arg9[%dma_start3A_21] : memref<832xf32, #tpu.memory_space<vmem>> -> memref<104xf32, #tpu.memory_space<vmem>>
      %dma_start3A_23 = arith.constant 0 : i32
      %dma_start3A_24 = tpu.memref_slice %arg7[%add3A_12, %dma_start3A_23] : memref<128x104xi32, #tpu.memory_space<vmem>> -> memref<1x104xi32, #tpu.memory_space<vmem>>
      %dma_start3A_25 = tpu.memref_squeeze %dma_start3A_24 : memref<1x104xi32, #tpu.memory_space<vmem>> -> memref<104xi32, #tpu.memory_space<vmem>>
      %dma_start3A_26 = arith.constant 0 : i32
      %dma_start3A_27 = tpu.memref_slice %arg4[%dma_start3A_26] : memref<2605056xf32, #tpu.memory_space<hbm>> -> memref<2605056xf32, #tpu.memory_space<hbm>>
      tpu.enqueue_indirect_dma source(%dma_start3A_27 : memref<2605056xf32, #tpu.memory_space<hbm>>) target(%dma_start3A_22 : memref<104xf32, #tpu.memory_space<vmem>>) offsets(%dma_start3A_25 : memref<104xi32, #tpu.memory_space<vmem>>) semaphore(%arg11 : memref<!tpu.dma_semaphore, #tpu.memory_space<semaphore_mem>>)
      %mul3A_28 = arith.constant 8 : i32
      %mul3A_29 = arith.muli %scan3A_8, %mul3A_28 : i32
      %add3A_30 = arith.constant 1 : i32
      %add3A_31 = arith.addi %mul3A_29, %add3A_30 : i32
      %dma_start3A_32 = arith.constant 104 : i32
      %dma_start3A_33 = arith.constant 0 : i32
      %dma_start3A_34 = tpu.memref_slice %arg8[%dma_start3A_32, %dma_start3A_33] : memref<832x16xf32, #tpu.memory_space<vmem>> -> memref<104x16xf32, #tpu.memory_space<vmem>>
      %dma_start3A_35 = arith.constant 0 : i32
      %dma_start3A_36 = tpu.memref_slice %arg7[%add3A_31, %dma_start3A_35] : memref<128x104xi32, #tpu.memory_space<vmem>> -> memref<1x104xi32, #tpu.memory_space<vmem>>
      %dma_start3A_37 = tpu.memref_squeeze %dma_start3A_36 : memref<1x104xi32, #tpu.memory_space<vmem>> -> memref<104xi32, #tpu.memory_space<vmem>>
      %dma_start3A_38 = arith.constant 0 : i32
      %dma_start3A_39 = arith.constant 0 : i32
      %dma_start3A_40 = tpu.memref_slice %arg3[%dma_start3A_38, %dma_start3A_39] : memref<2605056x16xf32, #tpu.memory_space<hbm>> -> memref<2605056x16xf32, #tpu.memory_space<hbm>>
      tpu.enqueue_indirect_dma source(%dma_start3A_40 : memref<2605056x16xf32, #tpu.memory_space<hbm>>) target(%dma_start3A_34 : memref<104x16xf32, #tpu.memory_space<vmem>>) offsets(%dma_start3A_37 : memref<104xi32, #tpu.memory_space<vmem>>) semaphore(%arg10 : memref<!tpu.dma_semaphore, #tpu.memory_space<semaphore_mem>>)
      %dma_start3A_41 = arith.constant 104 : i32
      %dma_start3A_42 = tpu.memref_slice %arg9[%dma_start3A_41] : memref<832xf32, #tpu.memory_space<vmem>> -> memref<104xf32, #tpu.memory_space<vmem>>
      %dma_start3A_43 = arith.constant 0 : i32
      %dma_start3A_44 = tpu.memref_slice %arg7[%add3A_31, %dma_start3A_43] : memref<128x104xi32, #tpu.memory_space<vmem>> -> memref<1x104xi32, #tpu.memory_space<vmem>>
      %dma_start3A_45 = tpu.memref_squeeze %dma_start3A_44 : memref<1x104xi32, #tpu.memory_space<vmem>> -> memref<104xi32, #tpu.memory_space<vmem>>
      %dma_start3A_46 = arith.constant 0 : i32
      %dma_start3A_47 = tpu.memref_slice %arg4[%dma_start3A_46] : memref<2605056xf32, #tpu.memory_space<hbm>> -> memref<2605056xf32, #tpu.memory_space<hbm>>
      tpu.enqueue_indirect_dma source(%dma_start3A_47 : memref<2605056xf32, #tpu.memory_space<hbm>>) target(%dma_start3A_42 : memref<104xf32, #tpu.memory_space<vmem>>) offsets(%dma_start3A_45 : memref<104xi32, #tpu.memory_space<vmem>>) semaphore(%arg11 : memref<!tpu.dma_semaphore, #tpu.memory_space<semaphore_mem>>)
      %mul3A_48 = arith.constant 8 : i32
      %mul3A_49 = arith.muli %scan3A_8, %mul3A_48 : i32
      %add3A_50 = arith.constant 2 : i32
      %add3A_51 = arith.addi %mul3A_49, %add3A_50 : i32
      %dma_start3A_52 = arith.constant 208 : i32
      %dma_start3A_53 = arith.constant 0 : i32
      %dma_start3A_54 = tpu.memref_slice %arg8[%dma_start3A_52, %dma_start3A_53] : memref<832x16xf32, #tpu.memory_space<vmem>> -> memref<104x16xf32, #tpu.memory_space<vmem>>
      %dma_start3A_55 = arith.constant 0 : i32
      %dma_start3A_56 = tpu.memref_slice %arg7[%add3A_51, %dma_start3A_55] : memref<128x104xi32, #tpu.memory_space<vmem>> -> memref<1x104xi32, #tpu.memory_space<vmem>>
      %dma_start3A_57 = tpu.memref_squeeze %dma_start3A_56 : memref<1x104xi32, #tpu.memory_space<vmem>> -> memref<104xi32, #tpu.memory_space<vmem>>
      %dma_start3A_58 = arith.constant 0 : i32
      %dma_start3A_59 = arith.constant 0 : i32
      %dma_start3A_60 = tpu.memref_slice %arg3[%dma_start3A_58, %dma_start3A_59] : memref<2605056x16xf32, #tpu.memory_space<hbm>> -> memref<2605056x16xf32, #tpu.memory_space<hbm>>
      tpu.enqueue_indirect_dma source(%dma_start3A_60 : memref<2605056x16xf32, #tpu.memory_space<hbm>>) target(%dma_start3A_54 : memref<104x16xf32, #tpu.memory_space<vmem>>) offsets(%dma_start3A_57 : memref<104xi32, #tpu.memory_space<vmem>>) semaphore(%arg10 : memref<!tpu.dma_semaphore, #tpu.memory_space<semaphore_mem>>)
      %dma_start3A_61 = arith.constant 208 : i32
      %dma_start3A_62 = tpu.memref_slice %arg9[%dma_start3A_61] : memref<832xf32, #tpu.memory_space<vmem>> -> memref<104xf32, #tpu.memory_space<vmem>>
      %dma_start3A_63 = arith.constant 0 : i32
      %dma_start3A_64 = tpu.memref_slice %arg7[%add3A_51, %dma_start3A_63] : memref<128x104xi32, #tpu.memory_space<vmem>> -> memref<1x104xi32, #tpu.memory_space<vmem>>
      %dma_start3A_65 = tpu.memref_squeeze %dma_start3A_64 : memref<1x104xi32, #tpu.memory_space<vmem>> -> memref<104xi32, #tpu.memory_space<vmem>>
      %dma_start3A_66 = arith.constant 0 : i32
      %dma_start3A_67 = tpu.memref_slice %arg4[%dma_start3A_66] : memref<2605056xf32, #tpu.memory_space<hbm>> -> memref<2605056xf32, #tpu.memory_space<hbm>>
      tpu.enqueue_indirect_dma source(%dma_start3A_67 : memref<2605056xf32, #tpu.memory_space<hbm>>) target(%dma_start3A_62 : memref<104xf32, #tpu.memory_space<vmem>>) offsets(%dma_start3A_65 : memref<104xi32, #tpu.memory_space<vmem>>) semaphore(%arg11 : memref<!tpu.dma_semaphore, #tpu.memory_space<semaphore_mem>>)
      %mul3A_68 = arith.constant 8 : i32
      %mul3A_69 = arith.muli %scan3A_8, %mul3A_68 : i32
      %add3A_70 = arith.constant 3 : i32
      %add3A_71 = arith.addi %mul3A_69, %add3A_70 : i32
      %dma_start3A_72 = arith.constant 312 : i32
      %dma_start3A_73 = arith.constant 0 : i32
      %dma_start3A_74 = tpu.memref_slice %arg8[%dma_start3A_72, %dma_start3A_73] : memref<832x16xf32, #tpu.memory_space<vmem>> -> memref<104x16xf32, #tpu.memory_space<vmem>>
      %dma_start3A_75 = arith.constant 0 : i32
      %dma_start3A_76 = tpu.memref_slice %arg7[%add3A_71, %dma_start3A_75] : memref<128x104xi32, #tpu.memory_space<vmem>> -> memref<1x104xi32, #tpu.memory_space<vmem>>
      %dma_start3A_77 = tpu.memref_squeeze %dma_start3A_76 : memref<1x104xi32, #tpu.memory_space<vmem>> -> memref<104xi32, #tpu.memory_space<vmem>>
      %dma_start3A_78 = arith.constant 0 : i32
      %dma_start3A_79 = arith.constant 0 : i32
      %dma_start3A_80 = tpu.memref_slice %arg3[%dma_start3A_78, %dma_start3A_79] : memref<2605056x16xf32, #tpu.memory_space<hbm>> -> memref<2605056x16xf32, #tpu.memory_space<hbm>>
      tpu.enqueue_indirect_dma source(%dma_start3A_80 : memref<2605056x16xf32, #tpu.memory_space<hbm>>) target(%dma_start3A_74 : memref<104x16xf32, #tpu.memory_space<vmem>>) offsets(%dma_start3A_77 : memref<104xi32, #tpu.memory_space<vmem>>) semaphore(%arg10 : memref<!tpu.dma_semaphore, #tpu.memory_space<semaphore_mem>>)
      %dma_start3A_81 = arith.constant 312 : i32
      %dma_start3A_82 = tpu.memref_slice %arg9[%dma_start3A_81] : memref<832xf32, #tpu.memory_space<vmem>> -> memref<104xf32, #tpu.memory_space<vmem>>
      %dma_start3A_83 = arith.constant 0 : i32
      %dma_start3A_84 = tpu.memref_slice %arg7[%add3A_71, %dma_start3A_83] : memref<128x104xi32, #tpu.memory_space<vmem>> -> memref<1x104xi32, #tpu.memory_space<vmem>>
      %dma_start3A_85 = tpu.memref_squeeze %dma_start3A_84 : memref<1x104xi32, #tpu.memory_space<vmem>> -> memref<104xi32, #tpu.memory_space<vmem>>
      %dma_start3A_86 = arith.constant 0 : i32
      %dma_start3A_87 = tpu.memref_slice %arg4[%dma_start3A_86] : memref<2605056xf32, #tpu.memory_space<hbm>> -> memref<2605056xf32, #tpu.memory_space<hbm>>
      tpu.enqueue_indirect_dma source(%dma_start3A_87 : memref<2605056xf32, #tpu.memory_space<hbm>>) target(%dma_start3A_82 : memref<104xf32, #tpu.memory_space<vmem>>) offsets(%dma_start3A_85 : memref<104xi32, #tpu.memory_space<vmem>>) semaphore(%arg11 : memref<!tpu.dma_semaphore, #tpu.memory_space<semaphore_mem>>)
      %mul3A_88 = arith.constant 8 : i32
      %mul3A_89 = arith.muli %scan3A_8, %mul3A_88 : i32
      %add3A_90 = arith.constant 4 : i32
      %add3A_91 = arith.addi %mul3A_89, %add3A_90 : i32
      %dma_start3A_92 = arith.constant 416 : i32
      %dma_start3A_93 = arith.constant 0 : i32
      %dma_start3A_94 = tpu.memref_slice %arg8[%dma_start3A_92, %dma_start3A_93] : memref<832x16xf32, #tpu.memory_space<vmem>> -> memref<104x16xf32, #tpu.memory_space<vmem>>
      %dma_start3A_95 = arith.constant 0 : i32
      %dma_start3A_96 = tpu.memref_slice %arg7[%add3A_91, %dma_start3A_95] : memref<128x104xi32, #tpu.memory_space<vmem>> -> memref<1x104xi32, #tpu.memory_space<vmem>>
      %dma_start3A_97 = tpu.memref_squeeze %dma_start3A_96 : memref<1x104xi32, #tpu.memory_space<vmem>> -> memref<104xi32, #tpu.memory_space<vmem>>
      %dma_start3A_98 = arith.constant 0 : i32
      %dma_start3A_99 = arith.constant 0 : i32
      %dma_start3A_100 = tpu.memref_slice %arg3[%dma_start3A_98, %dma_start3A_99] : memref<2605056x16xf32, #tpu.memory_space<hbm>> -> memref<2605056x16xf32, #tpu.memory_space<hbm>>
      tpu.enqueue_indirect_dma source(%dma_start3A_100 : memref<2605056x16xf32, #tpu.memory_space<hbm>>) target(%dma_start3A_94 : memref<104x16xf32, #tpu.memory_space<vmem>>) offsets(%dma_start3A_97 : memref<104xi32, #tpu.memory_space<vmem>>) semaphore(%arg10 : memref<!tpu.dma_semaphore, #tpu.memory_space<semaphore_mem>>)
      %dma_start3A_101 = arith.constant 416 : i32
      %dma_start3A_102 = tpu.memref_slice %arg9[%dma_start3A_101] : memref<832xf32, #tpu.memory_space<vmem>> -> memref<104xf32, #tpu.memory_space<vmem>>
      %dma_start3A_103 = arith.constant 0 : i32
      %dma_start3A_104 = tpu.memref_slice %arg7[%add3A_91, %dma_start3A_103] : memref<128x104xi32, #tpu.memory_space<vmem>> -> memref<1x104xi32, #tpu.memory_space<vmem>>
      %dma_start3A_105 = tpu.memref_squeeze %dma_start3A_104 : memref<1x104xi32, #tpu.memory_space<vmem>> -> memref<104xi32, #tpu.memory_space<vmem>>
      %dma_start3A_106 = arith.constant 0 : i32
      %dma_start3A_107 = tpu.memref_slice %arg4[%dma_start3A_106] : memref<2605056xf32, #tpu.memory_space<hbm>> -> memref<2605056xf32, #tpu.memory_space<hbm>>
      tpu.enqueue_indirect_dma source(%dma_start3A_107 : memref<2605056xf32, #tpu.memory_space<hbm>>) target(%dma_start3A_102 : memref<104xf32, #tpu.memory_space<vmem>>) offsets(%dma_start3A_105 : memref<104xi32, #tpu.memory_space<vmem>>) semaphore(%arg11 : memref<!tpu.dma_semaphore, #tpu.memory_space<semaphore_mem>>)
      %mul3A_108 = arith.constant 8 : i32
      %mul3A_109 = arith.muli %scan3A_8, %mul3A_108 : i32
      %add3A_110 = arith.constant 5 : i32
      %add3A_111 = arith.addi %mul3A_109, %add3A_110 : i32
      %dma_start3A_112 = arith.constant 520 : i32
      %dma_start3A_113 = arith.constant 0 : i32
      %dma_start3A_114 = tpu.memref_slice %arg8[%dma_start3A_112, %dma_start3A_113] : memref<832x16xf32, #tpu.memory_space<vmem>> -> memref<104x16xf32, #tpu.memory_space<vmem>>
      %dma_start3A_115 = arith.constant 0 : i32
      %dma_start3A_116 = tpu.memref_slice %arg7[%add3A_111, %dma_start3A_115] : memref<128x104xi32, #tpu.memory_space<vmem>> -> memref<1x104xi32, #tpu.memory_space<vmem>>
      %dma_start3A_117 = tpu.memref_squeeze %dma_start3A_116 : memref<1x104xi32, #tpu.memory_space<vmem>> -> memref<104xi32, #tpu.memory_space<vmem>>
      %dma_start3A_118 = arith.constant 0 : i32
      %dma_start3A_119 = arith.constant 0 : i32
      %dma_start3A_120 = tpu.memref_slice %arg3[%dma_start3A_118, %dma_start3A_119] : memref<2605056x16xf32, #tpu.memory_space<hbm>> -> memref<2605056x16xf32, #tpu.memory_space<hbm>>
      tpu.enqueue_indirect_dma source(%dma_start3A_120 : memref<2605056x16xf32, #tpu.memory_space<hbm>>) target(%dma_start3A_114 : memref<104x16xf32, #tpu.memory_space<vmem>>) offsets(%dma_start3A_117 : memref<104xi32, #tpu.memory_space<vmem>>) semaphore(%arg10 : memref<!tpu.dma_semaphore, #tpu.memory_space<semaphore_mem>>)
      %dma_start3A_121 = arith.constant 520 : i32
      %dma_start3A_122 = tpu.memref_slice %arg9[%dma_start3A_121] : memref<832xf32, #tpu.memory_space<vmem>> -> memref<104xf32, #tpu.memory_space<vmem>>
      %dma_start3A_123 = arith.constant 0 : i32
      %dma_start3A_124 = tpu.memref_slice %arg7[%add3A_111, %dma_start3A_123] : memref<128x104xi32, #tpu.memory_space<vmem>> -> memref<1x104xi32, #tpu.memory_space<vmem>>
      %dma_start3A_125 = tpu.memref_squeeze %dma_start3A_124 : memref<1x104xi32, #tpu.memory_space<vmem>> -> memref<104xi32, #tpu.memory_space<vmem>>
      %dma_start3A_126 = arith.constant 0 : i32
      %dma_start3A_127 = tpu.memref_slice %arg4[%dma_start3A_126] : memref<2605056xf32, #tpu.memory_space<hbm>> -> memref<2605056xf32, #tpu.memory_space<hbm>>
      tpu.enqueue_indirect_dma source(%dma_start3A_127 : memref<2605056xf32, #tpu.memory_space<hbm>>) target(%dma_start3A_122 : memref<104xf32, #tpu.memory_space<vmem>>) offsets(%dma_start3A_125 : memref<104xi32, #tpu.memory_space<vmem>>) semaphore(%arg11 : memref<!tpu.dma_semaphore, #tpu.memory_space<semaphore_mem>>)
      %mul3A_128 = arith.constant 8 : i32
      %mul3A_129 = arith.muli %scan3A_8, %mul3A_128 : i32
      %add3A_130 = arith.constant 6 : i32
      %add3A_131 = arith.addi %mul3A_129, %add3A_130 : i32
      %dma_start3A_132 = arith.constant 624 : i32
      %dma_start3A_133 = arith.constant 0 : i32
      %dma_start3A_134 = tpu.memref_slice %arg8[%dma_start3A_132, %dma_start3A_133] : memref<832x16xf32, #tpu.memory_space<vmem>> -> memref<104x16xf32, #tpu.memory_space<vmem>>
      %dma_start3A_135 = arith.constant 0 : i32
      %dma_start3A_136 = tpu.memref_slice %arg7[%add3A_131, %dma_start3A_135] : memref<128x104xi32, #tpu.memory_space<vmem>> -> memref<1x104xi32, #tpu.memory_space<vmem>>
      %dma_start3A_137 = tpu.memref_squeeze %dma_start3A_136 : memref<1x104xi32, #tpu.memory_space<vmem>> -> memref<104xi32, #tpu.memory_space<vmem>>
      %dma_start3A_138 = arith.constant 0 : i32
      %dma_start3A_139 = arith.constant 0 : i32
      %dma_start3A_140 = tpu.memref_slice %arg3[%dma_start3A_138, %dma_start3A_139] : memref<2605056x16xf32, #tpu.memory_space<hbm>> -> memref<2605056x16xf32, #tpu.memory_space<hbm>>
      tpu.enqueue_indirect_dma source(%dma_start3A_140 : memref<2605056x16xf32, #tpu.memory_space<hbm>>) target(%dma_start3A_134 : memref<104x16xf32, #tpu.memory_space<vmem>>) offsets(%dma_start3A_137 : memref<104xi32, #tpu.memory_space<vmem>>) semaphore(%arg10 : memref<!tpu.dma_semaphore, #tpu.memory_space<semaphore_mem>>)
      %dma_start3A_141 = arith.constant 624 : i32
      %dma_start3A_142 = tpu.memref_slice %arg9[%dma_start3A_141] : memref<832xf32, #tpu.memory_space<vmem>> -> memref<104xf32, #tpu.memory_space<vmem>>
      %dma_start3A_143 = arith.constant 0 : i32
      %dma_start3A_144 = tpu.memref_slice %arg7[%add3A_131, %dma_start3A_143] : memref<128x104xi32, #tpu.memory_space<vmem>> -> memref<1x104xi32, #tpu.memory_space<vmem>>
      %dma_start3A_145 = tpu.memref_squeeze %dma_start3A_144 : memref<1x104xi32, #tpu.memory_space<vmem>> -> memref<104xi32, #tpu.memory_space<vmem>>
      %dma_start3A_146 = arith.constant 0 : i32
      %dma_start3A_147 = tpu.memref_slice %arg4[%dma_start3A_146] : memref<2605056xf32, #tpu.memory_space<hbm>> -> memref<2605056xf32, #tpu.memory_space<hbm>>
      tpu.enqueue_indirect_dma source(%dma_start3A_147 : memref<2605056xf32, #tpu.memory_space<hbm>>) target(%dma_start3A_142 : memref<104xf32, #tpu.memory_space<vmem>>) offsets(%dma_start3A_145 : memref<104xi32, #tpu.memory_space<vmem>>) semaphore(%arg11 : memref<!tpu.dma_semaphore, #tpu.memory_space<semaphore_mem>>)
      %mul3A_148 = arith.constant 8 : i32
      %mul3A_149 = arith.muli %scan3A_8, %mul3A_148 : i32
      %add3A_150 = arith.constant 7 : i32
      %add3A_151 = arith.addi %mul3A_149, %add3A_150 : i32
      %dma_start3A_152 = arith.constant 728 : i32
      %dma_start3A_153 = arith.constant 0 : i32
      %dma_start3A_154 = tpu.memref_slice %arg8[%dma_start3A_152, %dma_start3A_153] : memref<832x16xf32, #tpu.memory_space<vmem>> -> memref<104x16xf32, #tpu.memory_space<vmem>>
      %dma_start3A_155 = arith.constant 0 : i32
      %dma_start3A_156 = tpu.memref_slice %arg7[%add3A_151, %dma_start3A_155] : memref<128x104xi32, #tpu.memory_space<vmem>> -> memref<1x104xi32, #tpu.memory_space<vmem>>
      %dma_start3A_157 = tpu.memref_squeeze %dma_start3A_156 : memref<1x104xi32, #tpu.memory_space<vmem>> -> memref<104xi32, #tpu.memory_space<vmem>>
      %dma_start3A_158 = arith.constant 0 : i32
      %dma_start3A_159 = arith.constant 0 : i32
      %dma_start3A_160 = tpu.memref_slice %arg3[%dma_start3A_158, %dma_start3A_159] : memref<2605056x16xf32, #tpu.memory_space<hbm>> -> memref<2605056x16xf32, #tpu.memory_space<hbm>>
      tpu.enqueue_indirect_dma source(%dma_start3A_160 : memref<2605056x16xf32, #tpu.memory_space<hbm>>) target(%dma_start3A_154 : memref<104x16xf32, #tpu.memory_space<vmem>>) offsets(%dma_start3A_157 : memref<104xi32, #tpu.memory_space<vmem>>) semaphore(%arg10 : memref<!tpu.dma_semaphore, #tpu.memory_space<semaphore_mem>>)
      %dma_start3A_161 = arith.constant 728 : i32
      %dma_start3A_162 = tpu.memref_slice %arg9[%dma_start3A_161] : memref<832xf32, #tpu.memory_space<vmem>> -> memref<104xf32, #tpu.memory_space<vmem>>
      %dma_start3A_163 = arith.constant 0 : i32
      %dma_start3A_164 = tpu.memref_slice %arg7[%add3A_151, %dma_start3A_163] : memref<128x104xi32, #tpu.memory_space<vmem>> -> memref<1x104xi32, #tpu.memory_space<vmem>>
      %dma_start3A_165 = tpu.memref_squeeze %dma_start3A_164 : memref<1x104xi32, #tpu.memory_space<vmem>> -> memref<104xi32, #tpu.memory_space<vmem>>
      %dma_start3A_166 = arith.constant 0 : i32
      %dma_start3A_167 = tpu.memref_slice %arg4[%dma_start3A_166] : memref<2605056xf32, #tpu.memory_space<hbm>> -> memref<2605056xf32, #tpu.memory_space<hbm>>
      tpu.enqueue_indirect_dma source(%dma_start3A_167 : memref<2605056xf32, #tpu.memory_space<hbm>>) target(%dma_start3A_162 : memref<104xf32, #tpu.memory_space<vmem>>) offsets(%dma_start3A_165 : memref<104xi32, #tpu.memory_space<vmem>>) semaphore(%arg11 : memref<!tpu.dma_semaphore, #tpu.memory_space<semaphore_mem>>)
      %dma_wait3A = arith.constant 0 : i32
      %dma_wait3A_168 = arith.constant 0 : i32
      %dma_wait3A_169 = tpu.memref_slice %arg8[%dma_wait3A, %dma_wait3A_168] : memref<832x16xf32, #tpu.memory_space<vmem>> -> memref<104x16xf32, #tpu.memory_space<vmem>>
      %dma_wait3A_170 = arith.constant 0 : i32
      %dma_wait3A_171 = tpu.memref_slice %arg7[%add3A_12, %dma_wait3A_170] : memref<128x104xi32, #tpu.memory_space<vmem>> -> memref<1x104xi32, #tpu.memory_space<vmem>>
      %dma_wait3A_172 = tpu.memref_squeeze %dma_wait3A_171 : memref<1x104xi32, #tpu.memory_space<vmem>> -> memref<104xi32, #tpu.memory_space<vmem>>
      %dma_wait3A_173 = arith.constant 0 : i32
      %dma_wait3A_174 = arith.constant 0 : i32
      %dma_wait3A_175 = tpu.memref_slice %arg3[%dma_wait3A_173, %dma_wait3A_174] : memref<2605056x16xf32, #tpu.memory_space<hbm>> -> memref<2605056x16xf32, #tpu.memory_space<hbm>>
      tpu.wait_indirect_dma semaphore(%arg10 : memref<!tpu.dma_semaphore, #tpu.memory_space<semaphore_mem>>) src(%dma_wait3A_175 : memref<2605056x16xf32, #tpu.memory_space<hbm>>) dst(%dma_wait3A_169 : memref<104x16xf32, #tpu.memory_space<vmem>>)
      %dma_wait3A_176 = arith.constant 0 : i32
      %dma_wait3A_177 = tpu.memref_slice %arg9[%dma_wait3A_176] : memref<832xf32, #tpu.memory_space<vmem>> -> memref<104xf32, #tpu.memory_space<vmem>>
      %dma_wait3A_178 = arith.constant 0 : i32
      %dma_wait3A_179 = tpu.memref_slice %arg7[%add3A_12, %dma_wait3A_178] : memref<128x104xi32, #tpu.memory_space<vmem>> -> memref<1x104xi32, #tpu.memory_space<vmem>>
      %dma_wait3A_180 = tpu.memref_squeeze %dma_wait3A_179 : memref<1x104xi32, #tpu.memory_space<vmem>> -> memref<104xi32, #tpu.memory_space<vmem>>
      %dma_wait3A_181 = arith.constant 0 : i32
      %dma_wait3A_182 = tpu.memref_slice %arg4[%dma_wait3A_181] : memref<2605056xf32, #tpu.memory_space<hbm>> -> memref<2605056xf32, #tpu.memory_space<hbm>>
      tpu.wait_indirect_dma semaphore(%arg11 : memref<!tpu.dma_semaphore, #tpu.memory_space<semaphore_mem>>) src(%dma_wait3A_182 : memref<2605056xf32, #tpu.memory_space<hbm>>) dst(%dma_wait3A_177 : memref<104xf32, #tpu.memory_space<vmem>>)
      %dma_wait3A_183 = arith.constant 104 : i32
      %dma_wait3A_184 = arith.constant 0 : i32
      %dma_wait3A_185 = tpu.memref_slice %arg8[%dma_wait3A_183, %dma_wait3A_184] : memref<832x16xf32, #tpu.memory_space<vmem>> -> memref<104x16xf32, #tpu.memory_space<vmem>>
      %dma_wait3A_186 = arith.constant 0 : i32
      %dma_wait3A_187 = tpu.memref_slice %arg7[%add3A_31, %dma_wait3A_186] : memref<128x104xi32, #tpu.memory_space<vmem>> -> memref<1x104xi32, #tpu.memory_space<vmem>>
      %dma_wait3A_188 = tpu.memref_squeeze %dma_wait3A_187 : memref<1x104xi32, #tpu.memory_space<vmem>> -> memref<104xi32, #tpu.memory_space<vmem>>
      %dma_wait3A_189 = arith.constant 0 : i32
      %dma_wait3A_190 = arith.constant 0 : i32
      %dma_wait3A_191 = tpu.memref_slice %arg3[%dma_wait3A_189, %dma_wait3A_190] : memref<2605056x16xf32, #tpu.memory_space<hbm>> -> memref<2605056x16xf32, #tpu.memory_space<hbm>>
      tpu.wait_indirect_dma semaphore(%arg10 : memref<!tpu.dma_semaphore, #tpu.memory_space<semaphore_mem>>) src(%dma_wait3A_191 : memref<2605056x16xf32, #tpu.memory_space<hbm>>) dst(%dma_wait3A_185 : memref<104x16xf32, #tpu.memory_space<vmem>>)
      %dma_wait3A_192 = arith.constant 104 : i32
      %dma_wait3A_193 = tpu.memref_slice %arg9[%dma_wait3A_192] : memref<832xf32, #tpu.memory_space<vmem>> -> memref<104xf32, #tpu.memory_space<vmem>>
      %dma_wait3A_194 = arith.constant 0 : i32
      %dma_wait3A_195 = tpu.memref_slice %arg7[%add3A_31, %dma_wait3A_194] : memref<128x104xi32, #tpu.memory_space<vmem>> -> memref<1x104xi32, #tpu.memory_space<vmem>>
      %dma_wait3A_196 = tpu.memref_squeeze %dma_wait3A_195 : memref<1x104xi32, #tpu.memory_space<vmem>> -> memref<104xi32, #tpu.memory_space<vmem>>
      %dma_wait3A_197 = arith.constant 0 : i32
      %dma_wait3A_198 = tpu.memref_slice %arg4[%dma_wait3A_197] : memref<2605056xf32, #tpu.memory_space<hbm>> -> memref<2605056xf32, #tpu.memory_space<hbm>>
      tpu.wait_indirect_dma semaphore(%arg11 : memref<!tpu.dma_semaphore, #tpu.memory_space<semaphore_mem>>) src(%dma_wait3A_198 : memref<2605056xf32, #tpu.memory_space<hbm>>) dst(%dma_wait3A_193 : memref<104xf32, #tpu.memory_space<vmem>>)
      %dma_wait3A_199 = arith.constant 208 : i32
      %dma_wait3A_200 = arith.constant 0 : i32
      %dma_wait3A_201 = tpu.memref_slice %arg8[%dma_wait3A_199, %dma_wait3A_200] : memref<832x16xf32, #tpu.memory_space<vmem>> -> memref<104x16xf32, #tpu.memory_space<vmem>>
      %dma_wait3A_202 = arith.constant 0 : i32
      %dma_wait3A_203 = tpu.memref_slice %arg7[%add3A_51, %dma_wait3A_202] : memref<128x104xi32, #tpu.memory_space<vmem>> -> memref<1x104xi32, #tpu.memory_space<vmem>>
      %dma_wait3A_204 = tpu.memref_squeeze %dma_wait3A_203 : memref<1x104xi32, #tpu.memory_space<vmem>> -> memref<104xi32, #tpu.memory_space<vmem>>
      %dma_wait3A_205 = arith.constant 0 : i32
      %dma_wait3A_206 = arith.constant 0 : i32
      %dma_wait3A_207 = tpu.memref_slice %arg3[%dma_wait3A_205, %dma_wait3A_206] : memref<2605056x16xf32, #tpu.memory_space<hbm>> -> memref<2605056x16xf32, #tpu.memory_space<hbm>>
      tpu.wait_indirect_dma semaphore(%arg10 : memref<!tpu.dma_semaphore, #tpu.memory_space<semaphore_mem>>) src(%dma_wait3A_207 : memref<2605056x16xf32, #tpu.memory_space<hbm>>) dst(%dma_wait3A_201 : memref<104x16xf32, #tpu.memory_space<vmem>>)
      %dma_wait3A_208 = arith.constant 208 : i32
      %dma_wait3A_209 = tpu.memref_slice %arg9[%dma_wait3A_208] : memref<832xf32, #tpu.memory_space<vmem>> -> memref<104xf32, #tpu.memory_space<vmem>>
      %dma_wait3A_210 = arith.constant 0 : i32
      %dma_wait3A_211 = tpu.memref_slice %arg7[%add3A_51, %dma_wait3A_210] : memref<128x104xi32, #tpu.memory_space<vmem>> -> memref<1x104xi32, #tpu.memory_space<vmem>>
      %dma_wait3A_212 = tpu.memref_squeeze %dma_wait3A_211 : memref<1x104xi32, #tpu.memory_space<vmem>> -> memref<104xi32, #tpu.memory_space<vmem>>
      %dma_wait3A_213 = arith.constant 0 : i32
      %dma_wait3A_214 = tpu.memref_slice %arg4[%dma_wait3A_213] : memref<2605056xf32, #tpu.memory_space<hbm>> -> memref<2605056xf32, #tpu.memory_space<hbm>>
      tpu.wait_indirect_dma semaphore(%arg11 : memref<!tpu.dma_semaphore, #tpu.memory_space<semaphore_mem>>) src(%dma_wait3A_214 : memref<2605056xf32, #tpu.memory_space<hbm>>) dst(%dma_wait3A_209 : memref<104xf32, #tpu.memory_space<vmem>>)
      %dma_wait3A_215 = arith.constant 312 : i32
      %dma_wait3A_216 = arith.constant 0 : i32
      %dma_wait3A_217 = tpu.memref_slice %arg8[%dma_wait3A_215, %dma_wait3A_216] : memref<832x16xf32, #tpu.memory_space<vmem>> -> memref<104x16xf32, #tpu.memory_space<vmem>>
      %dma_wait3A_218 = arith.constant 0 : i32
      %dma_wait3A_219 = tpu.memref_slice %arg7[%add3A_71, %dma_wait3A_218] : memref<128x104xi32, #tpu.memory_space<vmem>> -> memref<1x104xi32, #tpu.memory_space<vmem>>
      %dma_wait3A_220 = tpu.memref_squeeze %dma_wait3A_219 : memref<1x104xi32, #tpu.memory_space<vmem>> -> memref<104xi32, #tpu.memory_space<vmem>>
      %dma_wait3A_221 = arith.constant 0 : i32
      %dma_wait3A_222 = arith.constant 0 : i32
      %dma_wait3A_223 = tpu.memref_slice %arg3[%dma_wait3A_221, %dma_wait3A_222] : memref<2605056x16xf32, #tpu.memory_space<hbm>> -> memref<2605056x16xf32, #tpu.memory_space<hbm>>
      tpu.wait_indirect_dma semaphore(%arg10 : memref<!tpu.dma_semaphore, #tpu.memory_space<semaphore_mem>>) src(%dma_wait3A_223 : memref<2605056x16xf32, #tpu.memory_space<hbm>>) dst(%dma_wait3A_217 : memref<104x16xf32, #tpu.memory_space<vmem>>)
      %dma_wait3A_224 = arith.constant 312 : i32
      %dma_wait3A_225 = tpu.memref_slice %arg9[%dma_wait3A_224] : memref<832xf32, #tpu.memory_space<vmem>> -> memref<104xf32, #tpu.memory_space<vmem>>
      %dma_wait3A_226 = arith.constant 0 : i32
      %dma_wait3A_227 = tpu.memref_slice %arg7[%add3A_71, %dma_wait3A_226] : memref<128x104xi32, #tpu.memory_space<vmem>> -> memref<1x104xi32, #tpu.memory_space<vmem>>
      %dma_wait3A_228 = tpu.memref_squeeze %dma_wait3A_227 : memref<1x104xi32, #tpu.memory_space<vmem>> -> memref<104xi32, #tpu.memory_space<vmem>>
      %dma_wait3A_229 = arith.constant 0 : i32
      %dma_wait3A_230 = tpu.memref_slice %arg4[%dma_wait3A_229] : memref<2605056xf32, #tpu.memory_space<hbm>> -> memref<2605056xf32, #tpu.memory_space<hbm>>
      tpu.wait_indirect_dma semaphore(%arg11 : memref<!tpu.dma_semaphore, #tpu.memory_space<semaphore_mem>>) src(%dma_wait3A_230 : memref<2605056xf32, #tpu.memory_space<hbm>>) dst(%dma_wait3A_225 : memref<104xf32, #tpu.memory_space<vmem>>)
      %dma_wait3A_231 = arith.constant 416 : i32
      %dma_wait3A_232 = arith.constant 0 : i32
      %dma_wait3A_233 = tpu.memref_slice %arg8[%dma_wait3A_231, %dma_wait3A_232] : memref<832x16xf32, #tpu.memory_space<vmem>> -> memref<104x16xf32, #tpu.memory_space<vmem>>
      %dma_wait3A_234 = arith.constant 0 : i32
      %dma_wait3A_235 = tpu.memref_slice %arg7[%add3A_91, %dma_wait3A_234] : memref<128x104xi32, #tpu.memory_space<vmem>> -> memref<1x104xi32, #tpu.memory_space<vmem>>
      %dma_wait3A_236 = tpu.memref_squeeze %dma_wait3A_235 : memref<1x104xi32, #tpu.memory_space<vmem>> -> memref<104xi32, #tpu.memory_space<vmem>>
      %dma_wait3A_237 = arith.constant 0 : i32
      %dma_wait3A_238 = arith.constant 0 : i32
      %dma_wait3A_239 = tpu.memref_slice %arg3[%dma_wait3A_237, %dma_wait3A_238] : memref<2605056x16xf32, #tpu.memory_space<hbm>> -> memref<2605056x16xf32, #tpu.memory_space<hbm>>
      tpu.wait_indirect_dma semaphore(%arg10 : memref<!tpu.dma_semaphore, #tpu.memory_space<semaphore_mem>>) src(%dma_wait3A_239 : memref<2605056x16xf32, #tpu.memory_space<hbm>>) dst(%dma_wait3A_233 : memref<104x16xf32, #tpu.memory_space<vmem>>)
      %dma_wait3A_240 = arith.constant 416 : i32
      %dma_wait3A_241 = tpu.memref_slice %arg9[%dma_wait3A_240] : memref<832xf32, #tpu.memory_space<vmem>> -> memref<104xf32, #tpu.memory_space<vmem>>
      %dma_wait3A_242 = arith.constant 0 : i32
      %dma_wait3A_243 = tpu.memref_slice %arg7[%add3A_91, %dma_wait3A_242] : memref<128x104xi32, #tpu.memory_space<vmem>> -> memref<1x104xi32, #tpu.memory_space<vmem>>
      %dma_wait3A_244 = tpu.memref_squeeze %dma_wait3A_243 : memref<1x104xi32, #tpu.memory_space<vmem>> -> memref<104xi32, #tpu.memory_space<vmem>>
      %dma_wait3A_245 = arith.constant 0 : i32
      %dma_wait3A_246 = tpu.memref_slice %arg4[%dma_wait3A_245] : memref<2605056xf32, #tpu.memory_space<hbm>> -> memref<2605056xf32, #tpu.memory_space<hbm>>
      tpu.wait_indirect_dma semaphore(%arg11 : memref<!tpu.dma_semaphore, #tpu.memory_space<semaphore_mem>>) src(%dma_wait3A_246 : memref<2605056xf32, #tpu.memory_space<hbm>>) dst(%dma_wait3A_241 : memref<104xf32, #tpu.memory_space<vmem>>)
      %dma_wait3A_247 = arith.constant 520 : i32
      %dma_wait3A_248 = arith.constant 0 : i32
      %dma_wait3A_249 = tpu.memref_slice %arg8[%dma_wait3A_247, %dma_wait3A_248] : memref<832x16xf32, #tpu.memory_space<vmem>> -> memref<104x16xf32, #tpu.memory_space<vmem>>
      %dma_wait3A_250 = arith.constant 0 : i32
      %dma_wait3A_251 = tpu.memref_slice %arg7[%add3A_111, %dma_wait3A_250] : memref<128x104xi32, #tpu.memory_space<vmem>> -> memref<1x104xi32, #tpu.memory_space<vmem>>
      %dma_wait3A_252 = tpu.memref_squeeze %dma_wait3A_251 : memref<1x104xi32, #tpu.memory_space<vmem>> -> memref<104xi32, #tpu.memory_space<vmem>>
      %dma_wait3A_253 = arith.constant 0 : i32
      %dma_wait3A_254 = arith.constant 0 : i32
      %dma_wait3A_255 = tpu.memref_slice %arg3[%dma_wait3A_253, %dma_wait3A_254] : memref<2605056x16xf32, #tpu.memory_space<hbm>> -> memref<2605056x16xf32, #tpu.memory_space<hbm>>
      tpu.wait_indirect_dma semaphore(%arg10 : memref<!tpu.dma_semaphore, #tpu.memory_space<semaphore_mem>>) src(%dma_wait3A_255 : memref<2605056x16xf32, #tpu.memory_space<hbm>>) dst(%dma_wait3A_249 : memref<104x16xf32, #tpu.memory_space<vmem>>)
      %dma_wait3A_256 = arith.constant 520 : i32
      %dma_wait3A_257 = tpu.memref_slice %arg9[%dma_wait3A_256] : memref<832xf32, #tpu.memory_space<vmem>> -> memref<104xf32, #tpu.memory_space<vmem>>
      %dma_wait3A_258 = arith.constant 0 : i32
      %dma_wait3A_259 = tpu.memref_slice %arg7[%add3A_111, %dma_wait3A_258] : memref<128x104xi32, #tpu.memory_space<vmem>> -> memref<1x104xi32, #tpu.memory_space<vmem>>
      %dma_wait3A_260 = tpu.memref_squeeze %dma_wait3A_259 : memref<1x104xi32, #tpu.memory_space<vmem>> -> memref<104xi32, #tpu.memory_space<vmem>>
      %dma_wait3A_261 = arith.constant 0 : i32
      %dma_wait3A_262 = tpu.memref_slice %arg4[%dma_wait3A_261] : memref<2605056xf32, #tpu.memory_space<hbm>> -> memref<2605056xf32, #tpu.memory_space<hbm>>
      tpu.wait_indirect_dma semaphore(%arg11 : memref<!tpu.dma_semaphore, #tpu.memory_space<semaphore_mem>>) src(%dma_wait3A_262 : memref<2605056xf32, #tpu.memory_space<hbm>>) dst(%dma_wait3A_257 : memref<104xf32, #tpu.memory_space<vmem>>)
      %dma_wait3A_263 = arith.constant 624 : i32
      %dma_wait3A_264 = arith.constant 0 : i32
      %dma_wait3A_265 = tpu.memref_slice %arg8[%dma_wait3A_263, %dma_wait3A_264] : memref<832x16xf32, #tpu.memory_space<vmem>> -> memref<104x16xf32, #tpu.memory_space<vmem>>
      %dma_wait3A_266 = arith.constant 0 : i32
      %dma_wait3A_267 = tpu.memref_slice %arg7[%add3A_131, %dma_wait3A_266] : memref<128x104xi32, #tpu.memory_space<vmem>> -> memref<1x104xi32, #tpu.memory_space<vmem>>
      %dma_wait3A_268 = tpu.memref_squeeze %dma_wait3A_267 : memref<1x104xi32, #tpu.memory_space<vmem>> -> memref<104xi32, #tpu.memory_space<vmem>>
      %dma_wait3A_269 = arith.constant 0 : i32
      %dma_wait3A_270 = arith.constant 0 : i32
      %dma_wait3A_271 = tpu.memref_slice %arg3[%dma_wait3A_269, %dma_wait3A_270] : memref<2605056x16xf32, #tpu.memory_space<hbm>> -> memref<2605056x16xf32, #tpu.memory_space<hbm>>
      tpu.wait_indirect_dma semaphore(%arg10 : memref<!tpu.dma_semaphore, #tpu.memory_space<semaphore_mem>>) src(%dma_wait3A_271 : memref<2605056x16xf32, #tpu.memory_space<hbm>>) dst(%dma_wait3A_265 : memref<104x16xf32, #tpu.memory_space<vmem>>)
      %dma_wait3A_272 = arith.constant 624 : i32
      %dma_wait3A_273 = tpu.memref_slice %arg9[%dma_wait3A_272] : memref<832xf32, #tpu.memory_space<vmem>> -> memref<104xf32, #tpu.memory_space<vmem>>
      %dma_wait3A_274 = arith.constant 0 : i32
      %dma_wait3A_275 = tpu.memref_slice %arg7[%add3A_131, %dma_wait3A_274] : memref<128x104xi32, #tpu.memory_space<vmem>> -> memref<1x104xi32, #tpu.memory_space<vmem>>
      %dma_wait3A_276 = tpu.memref_squeeze %dma_wait3A_275 : memref<1x104xi32, #tpu.memory_space<vmem>> -> memref<104xi32, #tpu.memory_space<vmem>>
      %dma_wait3A_277 = arith.constant 0 : i32
      %dma_wait3A_278 = tpu.memref_slice %arg4[%dma_wait3A_277] : memref<2605056xf32, #tpu.memory_space<hbm>> -> memref<2605056xf32, #tpu.memory_space<hbm>>
      tpu.wait_indirect_dma semaphore(%arg11 : memref<!tpu.dma_semaphore, #tpu.memory_space<semaphore_mem>>) src(%dma_wait3A_278 : memref<2605056xf32, #tpu.memory_space<hbm>>) dst(%dma_wait3A_273 : memref<104xf32, #tpu.memory_space<vmem>>)
      %dma_wait3A_279 = arith.constant 728 : i32
      %dma_wait3A_280 = arith.constant 0 : i32
      %dma_wait3A_281 = tpu.memref_slice %arg8[%dma_wait3A_279, %dma_wait3A_280] : memref<832x16xf32, #tpu.memory_space<vmem>> -> memref<104x16xf32, #tpu.memory_space<vmem>>
      %dma_wait3A_282 = arith.constant 0 : i32
      %dma_wait3A_283 = tpu.memref_slice %arg7[%add3A_151, %dma_wait3A_282] : memref<128x104xi32, #tpu.memory_space<vmem>> -> memref<1x104xi32, #tpu.memory_space<vmem>>
      %dma_wait3A_284 = tpu.memref_squeeze %dma_wait3A_283 : memref<1x104xi32, #tpu.memory_space<vmem>> -> memref<104xi32, #tpu.memory_space<vmem>>
      %dma_wait3A_285 = arith.constant 0 : i32
      %dma_wait3A_286 = arith.constant 0 : i32
      %dma_wait3A_287 = tpu.memref_slice %arg3[%dma_wait3A_285, %dma_wait3A_286] : memref<2605056x16xf32, #tpu.memory_space<hbm>> -> memref<2605056x16xf32, #tpu.memory_space<hbm>>
      tpu.wait_indirect_dma semaphore(%arg10 : memref<!tpu.dma_semaphore, #tpu.memory_space<semaphore_mem>>) src(%dma_wait3A_287 : memref<2605056x16xf32, #tpu.memory_space<hbm>>) dst(%dma_wait3A_281 : memref<104x16xf32, #tpu.memory_space<vmem>>)
      %dma_wait3A_288 = arith.constant 728 : i32
      %dma_wait3A_289 = tpu.memref_slice %arg9[%dma_wait3A_288] : memref<832xf32, #tpu.memory_space<vmem>> -> memref<104xf32, #tpu.memory_space<vmem>>
      %dma_wait3A_290 = arith.constant 0 : i32
      %dma_wait3A_291 = tpu.memref_slice %arg7[%add3A_151, %dma_wait3A_290] : memref<128x104xi32, #tpu.memory_space<vmem>> -> memref<1x104xi32, #tpu.memory_space<vmem>>
      %dma_wait3A_292 = tpu.memref_squeeze %dma_wait3A_291 : memref<1x104xi32, #tpu.memory_space<vmem>> -> memref<104xi32, #tpu.memory_space<vmem>>
      %dma_wait3A_293 = arith.constant 0 : i32
      %dma_wait3A_294 = tpu.memref_slice %arg4[%dma_wait3A_293] : memref<2605056xf32, #tpu.memory_space<hbm>> -> memref<2605056xf32, #tpu.memory_space<hbm>>
      tpu.wait_indirect_dma semaphore(%arg11 : memref<!tpu.dma_semaphore, #tpu.memory_space<semaphore_mem>>) src(%dma_wait3A_294 : memref<2605056xf32, #tpu.memory_space<hbm>>) dst(%dma_wait3A_289 : memref<104xf32, #tpu.memory_space<vmem>>)
      %mul3A_295 = arith.constant 8 : i32
      %mul3A_296 = arith.muli %scan3A_8, %mul3A_295 : i32
      %add3A_297 = arith.addi %mul3A_2, %mul3A_296 : i32
      %mul3A_298 = arith.constant 104 : i32
      %mul3A_299 = arith.muli %add3A_297, %mul3A_298 : i32
      "tpu.region"() ({
        %run_scoped3A = tpu.sem_alloc : memref<!tpu.dma_semaphore, #tpu.memory_space<semaphore_mem>>
        %dma_start3A_300 = arith.constant 0 : i32
        %dma_start3A_301 = tpu.memref_slice %arg5[%mul3A_299, %dma_start3A_300] : memref<425984x16xf32, #tpu.memory_space<hbm>> -> memref<832x16xf32, #tpu.memory_space<hbm>>
        %dma_start3A_302 = arith.constant 0 : i32
        %dma_start3A_303 = tpu.memref_slice %arg5[%mul3A_299, %dma_start3A_302] : memref<425984x16xf32, #tpu.memory_space<hbm>> -> memref<832x16xf32, #tpu.memory_space<hbm>>
        tpu.enqueue_dma source(%arg8 : memref<832x16xf32, #tpu.memory_space<vmem>>) target(%dma_start3A_303 : memref<832x16xf32, #tpu.memory_space<hbm>>) target_semaphore(%run_scoped3A : memref<!tpu.dma_semaphore, #tpu.memory_space<semaphore_mem>>)
        %dma_wait3A_304 = arith.constant 0 : i32
        %dma_wait3A_305 = tpu.memref_slice %arg5[%mul3A_299, %dma_wait3A_304] : memref<425984x16xf32, #tpu.memory_space<hbm>> -> memref<832x16xf32, #tpu.memory_space<hbm>>
        %dma_wait3A_306 = arith.constant 0 : i32
        %dma_wait3A_307 = tpu.memref_slice %arg5[%mul3A_299, %dma_wait3A_306] : memref<425984x16xf32, #tpu.memory_space<hbm>> -> memref<832x16xf32, #tpu.memory_space<hbm>>
        tpu.wait_dma2 semaphore(%run_scoped3A : memref<!tpu.dma_semaphore, #tpu.memory_space<semaphore_mem>>) src(%arg8 : memref<832x16xf32, #tpu.memory_space<vmem>>) dst(%dma_wait3A_307 : memref<832x16xf32, #tpu.memory_space<hbm>>)
        tpu.yield
      }) : () -> ()
      "tpu.region"() ({
        %run_scoped3A = tpu.sem_alloc : memref<!tpu.dma_semaphore, #tpu.memory_space<semaphore_mem>>
        %dma_start3A_300 = tpu.memref_slice %arg6[%mul3A_299] : memref<425984xf32, #tpu.memory_space<hbm>> -> memref<832xf32, #tpu.memory_space<hbm>>
        %dma_start3A_301 = tpu.memref_slice %arg6[%mul3A_299] : memref<425984xf32, #tpu.memory_space<hbm>> -> memref<832xf32, #tpu.memory_space<hbm>>
        tpu.enqueue_dma source(%arg9 : memref<832xf32, #tpu.memory_space<vmem>>) target(%dma_start3A_301 : memref<832xf32, #tpu.memory_space<hbm>>) target_semaphore(%run_scoped3A : memref<!tpu.dma_semaphore, #tpu.memory_space<semaphore_mem>>)
        %dma_wait3A_302 = tpu.memref_slice %arg6[%mul3A_299] : memref<425984xf32, #tpu.memory_space<hbm>> -> memref<832xf32, #tpu.memory_space<hbm>>
        %dma_wait3A_303 = tpu.memref_slice %arg6[%mul3A_299] : memref<425984xf32, #tpu.memory_space<hbm>> -> memref<832xf32, #tpu.memory_space<hbm>>
        tpu.wait_dma2 semaphore(%run_scoped3A : memref<!tpu.dma_semaphore, #tpu.memory_space<semaphore_mem>>) src(%arg9 : memref<832xf32, #tpu.memory_space<vmem>>) dst(%dma_wait3A_303 : memref<832xf32, #tpu.memory_space<hbm>>)
        tpu.yield
      }) : () -> ()
    }
    %scan3A_7 = arith.constant 16 : i32
    return
  }
}

module attributes {stable_mosaic.version = 14 : i64} {
  func.func @_transpose_body(%arg0: i32, %arg1: memref<16x16384xf32, #tpu.memory_space<vmem>>, %arg2: memref<1x16384xf32, #tpu.memory_space<vmem>>, %arg3: memref<2048x128xf32, #tpu.memory_space<vmem>>, %arg4: memref<128x128xf32, #tpu.memory_space<vmem>>) attributes {dimension_semantics = [#tpu.dimension_semantics<arbitrary>], iteration_bounds = array<i64: 159>, scalar_prefetch = 0 : i64, scratch_operands = 0 : i64, tpu.core_type = #tpu.core_type<tc>, window_params = [{transform_indices = @transform_0, window_bounds = array<i64: 16, 16384>}, {transform_indices = @transform_1, window_bounds = array<i64: 1, 16384>}, {transform_indices = @transform_2, window_bounds = array<i64: 2048, 128>}, {transform_indices = @transform_3, window_bounds = array<i64: 128, 128>}]} {
    %get3A = arith.constant 0 : index
    %get3A_0 = arith.constant 0 : index
    %get3A_1 = vector.load %arg1[%get3A, %get3A_0] : memref<16x16384xf32, #tpu.memory_space<vmem>>, vector<16x16384xf32>
    %transpose3A = tpu.transpose %get3A_1, [1, 0] : vector<16x16384xf32> -> vector<16384x16xf32>
    %reshape3A = vector.shape_cast %transpose3A : vector<16384x16xf32> to vector<2048x8x16xf32>
    %slice3A = vector.extract_strided_slice %reshape3A {offsets = [0, 0, 0], sizes = [2048, 1, 16], strides = [1, 1, 1]} : vector<2048x8x16xf32> to vector<2048x1x16xf32>
    %squeeze3A = vector.shape_cast %slice3A : vector<2048x1x16xf32> to vector<2048x16xf32>
    %swap3A = arith.constant 0 : index
    %swap3A_2 = arith.constant 0 : index
    %swap3A_3 = vector.load %arg3[%swap3A, %swap3A_2] : memref<2048x128xf32, #tpu.memory_space<vmem>>, vector<2048x16xf32>
    tpu.vector_store %arg3[%swap3A, %swap3A_2], %squeeze3A {strides = array<i32>} : memref<2048x128xf32, #tpu.memory_space<vmem>>, vector<2048x16xf32>,
    %slice3A_4 = vector.extract_strided_slice %reshape3A {offsets = [0, 1, 0], sizes = [2048, 1, 16], strides = [1, 1, 1]} : vector<2048x8x16xf32> to vector<2048x1x16xf32>
    %squeeze3A_5 = vector.shape_cast %slice3A_4 : vector<2048x1x16xf32> to vector<2048x16xf32>
    %swap3A_6 = arith.constant 0 : index
    %swap3A_7 = arith.constant 16 : index
    %swap3A_8 = vector.load %arg3[%swap3A_6, %swap3A_7] : memref<2048x128xf32, #tpu.memory_space<vmem>>, vector<2048x16xf32>
    tpu.vector_store %arg3[%swap3A_6, %swap3A_7], %squeeze3A_5 {strides = array<i32>} : memref<2048x128xf32, #tpu.memory_space<vmem>>, vector<2048x16xf32>,
    %slice3A_9 = vector.extract_strided_slice %reshape3A {offsets = [0, 2, 0], sizes = [2048, 1, 16], strides = [1, 1, 1]} : vector<2048x8x16xf32> to vector<2048x1x16xf32>
    %squeeze3A_10 = vector.shape_cast %slice3A_9 : vector<2048x1x16xf32> to vector<2048x16xf32>
    %swap3A_11 = arith.constant 0 : index
    %swap3A_12 = arith.constant 32 : index
    %swap3A_13 = vector.load %arg3[%swap3A_11, %swap3A_12] : memref<2048x128xf32, #tpu.memory_space<vmem>>, vector<2048x16xf32>
    tpu.vector_store %arg3[%swap3A_11, %swap3A_12], %squeeze3A_10 {strides = array<i32>} : memref<2048x128xf32, #tpu.memory_space<vmem>>, vector<2048x16xf32>,
    %slice3A_14 = vector.extract_strided_slice %reshape3A {offsets = [0, 3, 0], sizes = [2048, 1, 16], strides = [1, 1, 1]} : vector<2048x8x16xf32> to vector<2048x1x16xf32>
    %squeeze3A_15 = vector.shape_cast %slice3A_14 : vector<2048x1x16xf32> to vector<2048x16xf32>
    %swap3A_16 = arith.constant 0 : index
    %swap3A_17 = arith.constant 48 : index
    %swap3A_18 = vector.load %arg3[%swap3A_16, %swap3A_17] : memref<2048x128xf32, #tpu.memory_space<vmem>>, vector<2048x16xf32>
    tpu.vector_store %arg3[%swap3A_16, %swap3A_17], %squeeze3A_15 {strides = array<i32>} : memref<2048x128xf32, #tpu.memory_space<vmem>>, vector<2048x16xf32>,
    %slice3A_19 = vector.extract_strided_slice %reshape3A {offsets = [0, 4, 0], sizes = [2048, 1, 16], strides = [1, 1, 1]} : vector<2048x8x16xf32> to vector<2048x1x16xf32>
    %squeeze3A_20 = vector.shape_cast %slice3A_19 : vector<2048x1x16xf32> to vector<2048x16xf32>
    %swap3A_21 = arith.constant 0 : index
    %swap3A_22 = arith.constant 64 : index
    %swap3A_23 = vector.load %arg3[%swap3A_21, %swap3A_22] : memref<2048x128xf32, #tpu.memory_space<vmem>>, vector<2048x16xf32>
    tpu.vector_store %arg3[%swap3A_21, %swap3A_22], %squeeze3A_20 {strides = array<i32>} : memref<2048x128xf32, #tpu.memory_space<vmem>>, vector<2048x16xf32>,
    %slice3A_24 = vector.extract_strided_slice %reshape3A {offsets = [0, 5, 0], sizes = [2048, 1, 16], strides = [1, 1, 1]} : vector<2048x8x16xf32> to vector<2048x1x16xf32>
    %squeeze3A_25 = vector.shape_cast %slice3A_24 : vector<2048x1x16xf32> to vector<2048x16xf32>
    %swap3A_26 = arith.constant 0 : index
    %swap3A_27 = arith.constant 80 : index
    %swap3A_28 = vector.load %arg3[%swap3A_26, %swap3A_27] : memref<2048x128xf32, #tpu.memory_space<vmem>>, vector<2048x16xf32>
    tpu.vector_store %arg3[%swap3A_26, %swap3A_27], %squeeze3A_25 {strides = array<i32>} : memref<2048x128xf32, #tpu.memory_space<vmem>>, vector<2048x16xf32>,
    %slice3A_29 = vector.extract_strided_slice %reshape3A {offsets = [0, 6, 0], sizes = [2048, 1, 16], strides = [1, 1, 1]} : vector<2048x8x16xf32> to vector<2048x1x16xf32>
    %squeeze3A_30 = vector.shape_cast %slice3A_29 : vector<2048x1x16xf32> to vector<2048x16xf32>
    %swap3A_31 = arith.constant 0 : index
    %swap3A_32 = arith.constant 96 : index
    %swap3A_33 = vector.load %arg3[%swap3A_31, %swap3A_32] : memref<2048x128xf32, #tpu.memory_space<vmem>>, vector<2048x16xf32>
    tpu.vector_store %arg3[%swap3A_31, %swap3A_32], %squeeze3A_30 {strides = array<i32>} : memref<2048x128xf32, #tpu.memory_space<vmem>>, vector<2048x16xf32>,
    %slice3A_34 = vector.extract_strided_slice %reshape3A {offsets = [0, 7, 0], sizes = [2048, 1, 16], strides = [1, 1, 1]} : vector<2048x8x16xf32> to vector<2048x1x16xf32>
    %squeeze3A_35 = vector.shape_cast %slice3A_34 : vector<2048x1x16xf32> to vector<2048x16xf32>
    %swap3A_36 = arith.constant 0 : index
    %swap3A_37 = arith.constant 112 : index
    %swap3A_38 = vector.load %arg3[%swap3A_36, %swap3A_37] : memref<2048x128xf32, #tpu.memory_space<vmem>>, vector<2048x16xf32>
    tpu.vector_store %arg3[%swap3A_36, %swap3A_37], %squeeze3A_35 {strides = array<i32>} : memref<2048x128xf32, #tpu.memory_space<vmem>>, vector<2048x16xf32>,
    %get3A_39 = arith.constant 0 : index
    %get3A_40 = arith.constant 0 : index
    %get3A_41 = vector.load %arg2[%get3A_39, %get3A_40] : memref<1x16384xf32, #tpu.memory_space<vmem>>, vector<1x16384xf32>
    %reshape3A_42 = vector.shape_cast %get3A_41 : vector<1x16384xf32> to vector<128x128xf32>
    %swap3A_43 = arith.constant 0 : index
    %swap3A_44 = arith.constant 0 : index
    %swap3A_45 = vector.load %arg4[%swap3A_43, %swap3A_44] : memref<128x128xf32, #tpu.memory_space<vmem>>, vector<128x128xf32>
    tpu.vector_store %arg4[%swap3A_43, %swap3A_44], %reshape3A_42 {strides = array<i32>} : memref<128x128xf32, #tpu.memory_space<vmem>>, vector<128x128xf32>,
    return
  }
  func.func @transform_0(%arg0: i32) -> (i32, i32) {
    %c0_i32 = arith.constant 0 : i32
    %c0_i32_0 = arith.constant 0 : i32
    return %c0_i32, %arg0 : i32, i32
  }
  func.func @transform_1(%arg0: i32) -> (i32, i32) {
    %c0_i32 = arith.constant 0 : i32
    %c0_i32_0 = arith.constant 0 : i32
    return %c0_i32, %arg0 : i32, i32
  }
  func.func @transform_2(%arg0: i32) -> (i32, i32) {
    %c0_i32 = arith.constant 0 : i32
    %c0_i32_0 = arith.constant 0 : i32
    return %arg0, %c0_i32 : i32, i32
  }
  func.func @transform_3(%arg0: i32) -> (i32, i32) {
    %c0_i32 = arith.constant 0 : i32
    %c0_i32_0 = arith.constant 0 : i32
    return %arg0, %c0_i32 : i32, i32
  }
}

module attributes {stable_mosaic.version = 14 : i64} {
  func.func @_tc_body(%arg0: i32, %arg1: memref<1024x416xf32, #tpu.memory_space<vmem>>, %arg2: memref<416x416xf32, #tpu.memory_space<vmem>>, %arg3: memref<1x416xf32, #tpu.memory_space<vmem>>, %arg4: memref<1024x26xf32, #tpu.memory_space<vmem>>, %arg5: memref<1x1xf32, #tpu.memory_space<vmem>>, %arg6: memref<1024x1xf32, #tpu.memory_space<vmem>>) attributes {dimension_semantics = [#tpu.dimension_semantics<arbitrary>], iteration_bounds = array<i64: 16>, scalar_prefetch = 0 : i64, scratch_operands = 0 : i64, tpu.core_type = #tpu.core_type<tc>, window_params = [{transform_indices = @transform_0, window_bounds = array<i64: 1024, 416>}, {pipeline_mode = #tpu.pipeline_mode<synchronous>, transform_indices = @transform_1, window_bounds = array<i64: 416, 416>}, {pipeline_mode = #tpu.pipeline_mode<synchronous>, transform_indices = @transform_2, window_bounds = array<i64: 1, 416>}, {transform_indices = @transform_3, window_bounds = array<i64: 1024, 26>}, {pipeline_mode = #tpu.pipeline_mode<synchronous>, transform_indices = @transform_4, window_bounds = array<i64: 1, 1>}, {transform_indices = @transform_5, window_bounds = array<i64: 1024, 1>}]} {
    %get3A = arith.constant 0 : index
    %get3A_0 = arith.constant 0 : index
    %get3A_1 = vector.load %arg1[%get3A, %get3A_0] : memref<1024x416xf32, #tpu.memory_space<vmem>>, vector<1024x416xf32>
    %get3A_2 = arith.constant 0 : index
    %get3A_3 = arith.constant 0 : index
    %get3A_4 = vector.load %arg2[%get3A_2, %get3A_3] : memref<416x416xf32, #tpu.memory_space<vmem>>, vector<416x416xf32>
    %dot_general3A = arith.constant dense<0.000000e+00> : vector<1024x416xf32>
    %dot_general3A_5 = tpu.matmul %get3A_1, %get3A_4, %dot_general3A {dimension_numbers = #tpu.dot_dimension_numbers<[1], [0], [0], [1], [0, 0, 1, 1], [], []>, transpose_lhs_hint = false} : vector<1024x416xf32>, vector<416x416xf32>, vector<1024x416xf32> -> vector<1024x416xf32>
    %get3A_6 = arith.constant 0 : index
    %get3A_7 = arith.constant 0 : index
    %get3A_8 = vector.load %arg3[%get3A_6, %get3A_7] : memref<1x416xf32, #tpu.memory_space<vmem>>, vector<1x416xf32>
    %add3A = vector.broadcast %get3A_8 : vector<1x416xf32> to vector<1024x416xf32>
    %add3A_9 = arith.addf %dot_general3A_5, %add3A : vector<1024x416xf32>
    %logistic3A = arith.negf %add3A_9 : vector<1024x416xf32>
    %logistic3A_10 = math.exp %logistic3A : vector<1024x416xf32>
    %logistic3A_11 = arith.constant 1.000000e+00 : f32
    %logistic3A_12 = vector.broadcast %logistic3A_11 : f32 to vector<1024x416xf32>
    %logistic3A_13 = arith.addf %logistic3A_12, %logistic3A_10 : vector<1024x416xf32>
    %logistic3A_14 = arith.divf %logistic3A_12, %logistic3A_13 : vector<1024x416xf32>
    %mul3A = arith.mulf %get3A_1, %logistic3A_14 : vector<1024x416xf32>
    %iota3A = tpu.iota {dimensions = array<i32: 0>} : vector<416x16xi32>
    %jit3A = arith.constant 16 : i32
    %eq3A = arith.constant 0 : i32
    %eq3A_15 = arith.cmpi eq, %jit3A, %eq3A : i32
    %jit3A_16 = arith.constant 1 : i32
    %select_n3A = arith.select %eq3A_15, %jit3A_16, %jit3A : i32
    %rem3A = vector.broadcast %select_n3A : i32 to vector<416x16xi32>
    %rem3A_17 = arith.remsi %iota3A, %rem3A : vector<416x16xi32>
    %ne3A = arith.constant 0 : i32
    %ne3A_18 = vector.broadcast %ne3A : i32 to vector<416x16xi32>
    %ne3A_19 = arith.cmpi ne, %rem3A_17, %ne3A_18 : vector<416x16xi32>
    %lt3A = arith.constant 0 : i32
    %lt3A_20 = vector.broadcast %lt3A : i32 to vector<416x16xi32>
    %lt3A_21 = arith.cmpi slt, %rem3A_17, %lt3A_20 : vector<416x16xi32>
    %lt3A_22 = arith.constant 0 : i32
    %lt3A_23 = arith.cmpi slt, %select_n3A, %lt3A_22 : i32
    %ne3A_24 = vector.broadcast %lt3A_23 : i1 to vector<416x16xi1>
    %ne3A_25 = vector.broadcast %ne3A_24 : vector<416x16xi1> to vector<416x16xi1>
    %ne3A_26 = arith.xori %lt3A_21, %ne3A_25 : vector<416x16xi1>
    %and3A = arith.andi %ne3A_26, %ne3A_19 : vector<416x16xi1>
    %add3A_27 = vector.broadcast %select_n3A : i32 to vector<416x16xi32>
    %add3A_28 = arith.addi %rem3A_17, %add3A_27 : vector<416x16xi32>
    %select_n3A_29 = arith.select %and3A, %add3A_28, %rem3A_17 : vector<416x16xi1>, vector<416x16xi32>
    %iota3A_30 = tpu.iota {dimensions = array<i32: 1>} : vector<416x16xi32>
    %eq3A_31 = arith.cmpi eq, %select_n3A_29, %iota3A_30 : vector<416x16xi32>
    %convert_element_type3A = arith.extui %eq3A_31 : vector<416x16xi1> to vector<416x16xi32>
    %convert_element_type3A_32 = arith.sitofp %convert_element_type3A : vector<416x16xi32> to vector<416x16xf32>
    %dot_general3A_33 = arith.constant dense<0.000000e+00> : vector<1024x16xf32>
    %dot_general3A_34 = tpu.matmul %mul3A, %convert_element_type3A_32, %dot_general3A_33 {dimension_numbers = #tpu.dot_dimension_numbers<[1], [0], [0], [1], [0, 0, 1, 1], [], []>, transpose_lhs_hint = false} : vector<1024x416xf32>, vector<416x16xf32>, vector<1024x16xf32> -> vector<1024x16xf32>
    %mul3A_35 = arith.mulf %dot_general3A_34, %dot_general3A_34 : vector<1024x16xf32>
    %reduce_sum3A = arith.constant dense<0.000000e+00> : vector<1024xf32>
    %reduce_sum3A_36 = vector.multi_reduction <add>, %mul3A_35, %reduce_sum3A [1] : vector<1024x16xf32> to vector<1024xf32>
    %broadcast_in_dim3A = vector.shape_cast %reduce_sum3A_36 : vector<1024xf32> to vector<1024x1xf32>
    %mul3A_37 = arith.mulf %mul3A, %mul3A : vector<1024x416xf32>
    %reduce_sum3A_38 = arith.constant dense<0.000000e+00> : vector<1024xf32>
    %reduce_sum3A_39 = vector.multi_reduction <add>, %mul3A_37, %reduce_sum3A_38 [1] : vector<1024x416xf32> to vector<1024xf32>
    %broadcast_in_dim3A_40 = vector.shape_cast %reduce_sum3A_39 : vector<1024xf32> to vector<1024x1xf32>
    %sub3A = arith.subf %broadcast_in_dim3A, %broadcast_in_dim3A_40 : vector<1024x1xf32>
    %mul3A_41 = arith.constant 5.000000e-01 : f32
    %mul3A_42 = vector.broadcast %mul3A_41 : f32 to vector<1024x1xf32>
    %mul3A_43 = arith.mulf %mul3A_42, %sub3A : vector<1024x1xf32>
    %get3A_44 = arith.constant 0 : index
    %get3A_45 = arith.constant 0 : index
    %get3A_46 = vector.load %arg4[%get3A_44, %get3A_45] : memref<1024x26xf32, #tpu.memory_space<vmem>>, vector<1024x26xf32>
    %reduce_sum3A_47 = arith.constant dense<0.000000e+00> : vector<1024xf32>
    %reduce_sum3A_48 = vector.multi_reduction <add>, %get3A_46, %reduce_sum3A_47 [1] : vector<1024x26xf32> to vector<1024xf32>
    %broadcast_in_dim3A_49 = vector.shape_cast %reduce_sum3A_48 : vector<1024xf32> to vector<1024x1xf32>
    %add3A_50 = arith.addf %mul3A_43, %broadcast_in_dim3A_49 : vector<1024x1xf32>
    %get3A_51 = arith.constant 0 : index
    %get3A_52 = arith.constant 0 : index
    %get3A_53 = vector.load %arg5[%get3A_51, %get3A_52] : memref<1x1xf32, #tpu.memory_space<vmem>>, vector<1x1xf32>
    %add3A_54 = vector.broadcast %get3A_53 : vector<1x1xf32> to vector<1024x1xf32>
    %add3A_55 = arith.addf %add3A_50, %add3A_54 : vector<1024x1xf32>
    %swap3A = arith.constant 0 : index
    %swap3A_56 = arith.constant 0 : index
    %swap3A_57 = vector.load %arg6[%swap3A, %swap3A_56] : memref<1024x1xf32, #tpu.memory_space<vmem>>, vector<1024x1xf32>
    tpu.vector_store %arg6[%swap3A, %swap3A_56], %add3A_55 {strides = array<i32>} : memref<1024x1xf32, #tpu.memory_space<vmem>>, vector<1024x1xf32>,
    return
  }
  func.func @transform_0(%arg0: i32) -> (i32, i32) {
    %c0_i32 = arith.constant 0 : i32
    %c0_i32_0 = arith.constant 0 : i32
    return %arg0, %c0_i32 : i32, i32
  }
  func.func @transform_1(%arg0: i32) -> (i32, i32) {
    %c0_i32 = arith.constant 0 : i32
    %c0_i32_0 = arith.constant 0 : i32
    %c0_i32_1 = arith.constant 0 : i32
    return %c0_i32, %c0_i32_0 : i32, i32
  }
  func.func @transform_2(%arg0: i32) -> (i32, i32) {
    %c0_i32 = arith.constant 0 : i32
    %c0_i32_0 = arith.constant 0 : i32
    %c0_i32_1 = arith.constant 0 : i32
    return %c0_i32, %c0_i32_0 : i32, i32
  }
  func.func @transform_3(%arg0: i32) -> (i32, i32) {
    %c0_i32 = arith.constant 0 : i32
    %c0_i32_0 = arith.constant 0 : i32
    return %arg0, %c0_i32 : i32, i32
  }
  func.func @transform_4(%arg0: i32) -> (i32, i32) {
    %c0_i32 = arith.constant 0 : i32
    %c0_i32_0 = arith.constant 0 : i32
    %c0_i32_1 = arith.constant 0 : i32
    return %c0_i32, %c0_i32_0 : i32, i32
  }
  func.func @transform_5(%arg0: i32) -> (i32, i32) {
    %c0_i32 = arith.constant 0 : i32
    %c0_i32_0 = arith.constant 0 : i32
    return %arg0, %c0_i32 : i32, i32
  }
}

</mosaic_0001>

<sc_bundles>
// kernel: kernel.5.cloned.1.call-start
scs
__scs_entry_jumppad:
0x0: {  	(pc) =	sbr.rel $0x88, $3  }
0x1: {  	(tag) =	ssettag $0x0;
	lr =	simm.s32 $0x1  }
0x2: {  	[smem:$0x3F9B] =	sst lr;
	_ =	strace $0xD0000000  }
0x3: {  	_ = 	snop  }
0x4: {  	_ = 	snop  }
0x5: {  	_ = 	snop  }
0x6: {  	_ = 	snop  }
0x7: {  	_ = 	snop  }
__scs_overlays_trampoline_lowered:
0x8: {  	[smem:$0x3FAA] =	sst s0  }
0x9: {  	[smem:$0x3FAB] =	sst s1  }
0xa: {  	[smem:$0x3FAC] =	sst s2  }
0xb: {  	[smem:$0x3FAD] =	sst s3  }
0xc: {  	[smem:$0x3FAE] =	sst s4  }
0xd: {  	[smem:$0x3FAF] =	sst s5  }
0xe: {  	[smem:$0x3FB0] =	sst s6  }
0xf: {  	[smem:$0x3FB1] =	sst s7  }
0x10: {  	[smem:$0x3FB2] =	sst s8  }
0x11: {  	[smem:$0x3FB3] =	sst s9;
	s0 =	simm.s32 @!p0 $0x0  }
0x12: {  	s1 =	sld [smem:$0x3F99];
	s0 =	simm.s32 @p0 $0x1  }
0x13: {  	[smem:$0x3FB4] =	sst s0;
	s0 =	simm.s32 @!p1 $0x0  }
0x14: {  	s2 =	sld [smem:$0x3F98];
	s0 =	simm.s32 @p1 $0x1  }
0x15: {  	[smem:$0x3FB5] =	sst s0;
	s0 =	simm.s32 @!p2 $0x0  }
0x16: {  	s3 =	sld [smem:$0x3FDB];
	s0 =	simm.s32 @p2 $0x1  }
0x17: {  	s4 =	simm.s32 $0x1BF5;
	[smem:$0x3FB7] =	sst s0  }
0x18: {  	s0 =	sld [smem:$0x3F9A];
	_ =	swait.ge [sflag:s4], $0x0  }
0x19: {  	s7 =	sld [smem:$0x3F9B]  }
0x1a: {  	s8 =	sadd.s32 $0xFFFFE003, lr  }
0x1b: {  	s9 =	sadd.s32 $0xFFFFFEF7, lr;
	s5 =	simm.s32 $0xFFFFFFFF;
	p2 =	slt.u32 s8, $0xFFFFF086  }
0x1c: {  	p1 =	slt.u32 s9, $0xF7A;
	s5 =	simm.s32 @!p2 $0x0  }
0x1d: {  	s5 =	simm.s32 @p1 $0x1;
	p0 =	seq.s32 s7, s2  }
0x1e: {  	s7 =	smul.u32 @!p0 $0xF7A, s2;
	p2 =	seq.s32 @!p0 s5, $0x0  }
0x1f: {  	s9 =	smul.u32 $0xF7A, s1;
	s8 =	simm.s32 @!p0 $0x1BF5;
	p2 =	por !p2, p0  }
0x20: {  	[sflag:s8] =	ssyncset.s32 @!p0 $0xFFFFF086;
	s6 =	sadd.s32 @!p0 s3, s7;
	s7 =	simm.s32 @!p0 $0x108  }
0x21: {  	s3 =	sadd.s32 s3, s9;
	s6 =	sadd.s32 @!p0 $0x88, s6;
	s7 =	simm.s32 @p2 $0x1082  }
0x22: {  	[simem:s7], [sflag:s8] =	dma.local @!p0 [hbm:s6], $0xF7A  }
0x23: {  	s9 =	sor.u32 $0xD0000000, s2;
	s6 =	simm.s32 $0x108;
	_ =	swait.ge @!p0 [sflag:s8], $0x0  }
0x24: {  	s3 =	sadd.s32 $0x88, s3;
	s6 =	simm.s32 @!p1 $0x1082;
	[sflag:s4] =	ssyncset.s32 $0xFFFFF086  }
0x25: {  	[simem:s6], [sflag:s4] =	dma.local [hbm:s3], $0xF7A  }
0x26: {  	[smem:$0x3F9B] =	sst s1;
	(tag) =	ssettag s2;
	_ =	strace s9  }
0x27: {  	s1 =	sld [smem:$0x3FAB]  }
0x28: {  	s2 =	sld [smem:$0x3FAC]  }
0x29: {  	s4 =	sld [smem:$0x3FAE]  }
0x2a: {  	p0 =	seq.s32 s5, $0x0;
	s5 =	sld [smem:$0x3FAF]  }
0x2b: {  	s6 =	sld [smem:$0x3FB0]  }
0x2c: {  	s7 =	sld [smem:$0x3FB1]  }
0x2d: {  	s3 =	simm.s32 $0x108;
	s8 =	sld [smem:$0x3FB2]  }
0x2e: {  	s3 =	simm.s32 @!p0 $0x1082;
	s9 =	sld [smem:$0x3FB3]  }
0x2f: {  	lr =	sadd.s32 s0, s3;
	s0 =	sld [smem:$0x3FAA]  }
0x30: {  	s3 =	sld [smem:$0x3FAD]  }
0x31: {  	[smem:$0x3FB6] =	sst s10  }
0x32: {  	s10 =	sld [smem:$0x3FB4];
	_ =	sdelay $0x3  }
0x33: {  	p0 =	seq.s32 s10, $0x1;
	s10 =	sld [smem:$0x3FB6];
	_ =	sdelay $0x3  }
0x34: {  	[smem:$0x3FB6] =	sst s10  }
0x35: {  	s10 =	sld [smem:$0x3FB5];
	_ =	sdelay $0x3  }
0x36: {  	p1 =	seq.s32 s10, $0x1;
	s10 =	sld [smem:$0x3FB6];
	_ =	sdelay $0x3  }
0x37: {  	[smem:$0x3FB6] =	sst s10  }
0x38: {  	s10 =	sld [smem:$0x3FB7]  }
0x39: {  	_ = 	snop;
	(pc) =	sbr.ind lr, $3  }
0x3a: {  	_ = 	snop  }
0x3b: {  	_ = 	snop  }
0x3c: {  	p2 =	seq.s32 s10, $0x1;
	s10 =	sld [smem:$0x3FB6]  }
0x3d: {  	_ =	shalt  }
0x3e: {  	_ =	shalt  }
0x3f: {  	_ =	shalt  }
0x40: {  	_ =	shalt  }
0x41: {  	_ =	shalt  }
0x42: {  	_ =	shalt  }
0x43: {  	_ =	shalt  }
0x44: {  	_ =	shalt  }
0x45: {  	_ =	shalt  }
0x46: {  	_ =	shalt  }
0x47: {  	_ =	shalt  }
0x48: {  	_ =	shalt  }
0x49: {  	_ =	shalt  }
0x4a: {  	_ =	shalt  }
0x4b: {  	_ =	shalt  }
0x4c: {  	_ =	shalt  }
0x4d: {  	_ =	shalt  }
0x4e: {  	_ =	shalt  }
0x4f: {  	_ =	shalt  }
0x50: {  	_ =	shalt  }
0x51: {  	_ =	shalt  }
0x52: {  	_ =	shalt  }
0x53: {  	_ =	shalt  }
0x54: {  	_ =	shalt  }
0x55: {  	_ =	shalt  }
0x56: {  	_ =	shalt  }
0x57: {  	_ =	shalt  }
0x58: {  	_ =	shalt  }
0x59: {  	_ =	shalt  }
0x5a: {  	_ =	shalt  }
0x5b: {  	_ =	shalt  }
0x5c: {  	_ =	shalt  }
0x5d: {  	_ =	shalt  }
0x5e: {  	_ =	shalt  }
0x5f: {  	_ =	shalt  }
0x60: {  	_ =	shalt  }
0x61: {  	_ =	shalt  }
0x62: {  	_ =	shalt  }
0x63: {  	_ =	shalt  }
0x64: {  	_ =	shalt  }
0x65: {  	_ =	shalt  }
0x66: {  	_ =	shalt  }
0x67: {  	_ =	shalt  }
0x68: {  	_ =	shalt  }
0x69: {  	_ =	shalt  }
0x6a: {  	_ =	shalt  }
0x6b: {  	_ =	shalt  }
0x6c: {  	_ =	shalt  }
0x6d: {  	_ =	shalt  }
0x6e: {  	_ =	shalt  }
0x6f: {  	_ =	shalt  }
0x70: {  	_ =	shalt  }
0x71: {  	_ =	shalt  }
0x72: {  	_ =	shalt  }
0x73: {  	_ =	shalt  }
0x74: {  	_ =	shalt  }
0x75: {  	_ =	shalt  }
0x76: {  	_ =	shalt  }
0x77: {  	_ =	shalt  }
0x78: {  	_ =	shalt  }
0x79: {  	_ =	shalt  }
0x7a: {  	_ =	shalt  }
0x7b: {  	_ =	shalt  }
0x7c: {  	_ =	shalt  }
0x7d: {  	_ =	shalt  }
0x7e: {  	_ =	shalt  }
0x7f: {  	_ =	shalt  }
0x80: {  	_ =	shalt  }
0x81: {  	_ =	shalt  }
0x82: {  	_ =	shalt  }
0x83: {  	_ =	shalt  }
0x84: {  	_ =	shalt  }
0x85: {  	_ =	shalt  }
0x86: {  	_ =	shalt  }
0x87: {  	_ =	shalt  }
.Lfunc_end0:
.L_simem_size_0:
called_computation_lowered:
.L_overlay_start_0:
0x88: {  	s2 =	sld [smem:$0x3FD9]  }
0x89: {  	s3 =	sld [smem:$0x3FFE];
	_ =	sdelay $0x1  }
0x8a: {  	s1 =	srdreg.scid  }
0x8b: {  	s0 =	sand.u32 $0x1, s1  }
0x8c: {  	s16 =	sshll.u32 s0, $0xA;
	s2 =	sadd.s32 s3, s2  }
0x8d: {  	s2 =	sadd.s32 s2, s16  }
0x8e: {  	[smem:$0x3FC2] =	sst s2  }
0x8f: {  	_ = 	snop  }
0x90: {  	(tm) =	ssettm $0x1  }
0x91: {  	s17 =	sld [smem:$0x3FFB];
	_ =	sdelay $0x3  }
0x92: {  	_ =	strace s17  }
0x93: {  	s2 =	sld [smem:$0x3FFC];
	_ =	sdelay $0x3  }
0x94: {  	_ =	strace s2  }
0x95: {  	s2 =	sld [smem:$0x3FFD];
	_ =	sdelay $0x3  }
0x96: {  	_ =	strace s2  }
0x97: {  	_ =	strace $0x8FFFFFFF  }
0x98: {  	s18 =	sld [smem:$0x3FDB];
	_ =	sdelay $0x1  }
0x99: {  	s19 =	simm.s32 $_scs_section_size  }
0x9a: {  	s4 =	simm.s32 $_size__tile_overlayer_lowered;
	s5 =	simm.s32 $_tile_overlayer_lowered  }
0x9b: {  	s22 =	simm.s32 $0x1BFF;
	s21 =	sshll.u32 s5, $0x1;
	s2 =	sadd.s32 s19, s18  }
0x9c: {  	s6 =	simm.s32 $0x0;
	s20 =	sshll.u32 s4, $0x1;
	s4 =	sadd.s32 s21, s2  }
0x9d: {  	[timem:s6], [sflag:s22] =	dma.local [hbm:s4], s20  }
0x9e: {  	_ =	swait.ge [sflag:s22], s20  }
0x9f: {  	s3 =	ssub.s32 $0x0, s20;
	[sflag:s22] =	ssyncset.done $0x0  }
0xa0: {  	[sflag:s22] =	ssyncadd.s32 s3;
	_ =	sdelay $0x1  }
0xa1: {  	s23 =	simm.s32 $0x1B8B  }
0xa2: {  	_ =	swait.ge [sflag:s23], $0x1  }
0xa3: {  	[sflag:s23] =	ssyncset.done $0x0  }
0xa4: {  	s25 =	simm.s32 $0x1B8E;
	s24 =	sld [smem:$0x3FFE];
	[sflag:s23] =	ssyncadd.s32 $0xFFFFFFFF  }
0xa5: {  	s26 =	simm.s32 $execute0_lowered;
	[smem:$0x3FD2] =	sst s25  }
0xa6: {  	s4 =	sshll.u32 s26, $0x1;
	_ =	strace $0x80000046;
	[dreg:$0x1] =	wrdreg $0xFFFFFFFF  }
0xa7: {  	s28 =	simm.s32 $_size_execute0_lowered;
	s2 =	sadd.s32 s2, s4;
	[dreg:$0x0] =	wrdreg $0x0  }
0xa8: {  	s4 =	sshll.u32 s28, $0x1;
	[dreg:$0x2] =	wrdreg s2  }
0xa9: {  	[dreg:$0x3] =	wrdreg s4  }
0xaa: {  	[dreg:$0x4] =	wrdreg $0xC0  }
0xab: {  	_ =	task [dreg:s6], $0x5FFFF  }
0xac: {  	[dreg:$0x1] =	wrdreg $0xFFFFFFFF  }
0xad: {  	[dreg:$0x0] =	wrdreg $0x60  }
0xae: {  	[dreg:$0x2] =	wrdreg s24  }
0xaf: {  	[dreg:$0x3] =	wrdreg $0x9  }
0xb0: {  	_ =	task.clear_ibuf [dreg:s6], $0x4FFFF;
	_ =	strace $0x90000046  }
0xb1: {  	s29 =	simm.s32 $0x9;
	_ =	strace $0x80000048  }
0xb2: {  	_ =	swait.ge [sflag:s29], $0x1  }
0xb3: {  	[sflag:s29] =	ssyncadd.s32 $0xFFFFFFFF  }
0xb4: {  	_ =	strace $0x90000048  }
0xb5: {  	_ =	sfence  }
0xb6: {  	s30 =	sld [smem:$0x0];
	_ =	sdelay $0x2  }
0xb7: {  	s31 =	sshll.u32 s1, $0xD;
	s1 =	sshrl.u32 s1, $0x2  }
0xb8: {  	s3 =	sand.u32 $0x4000, s31;
	s1 =	sadd.s32 s1, s30  }
0xb9: {  	s0 =	sor.u32 s3, s0;
	s1 =	sshll.u32 s1, $0x11  }
0xba: {  	s0 =	sor.u32 s1, s0  }
0xbb: {  	s0 =	sadd.s32 $0x8F2B, s0  }
0xbc: {  	[sflag:s0] =	ssyncadd.remote.s32 $0x1  }
0xbd: {  	_ =	sfence.sel $0xFFFF  }
0xbe: {  	[dreg:$0x0] =	wrdreg $0xFFFFFFFF;
	(pc) =	sbr.abs _section_cstart, $3  }
0xbf: {  	[dreg:$0x1] =	wrdreg $0xFFFFFFFF  }
0xc0: {  	_ =	task.clear_ibuf [dreg:s6], $0x2FFFF;
	_ =	strace $0x9FFFFFFF  }
0xc1: {  	(tm) =	ssettm $0x7FFFFFFF  }
tec
execute0_lowered:
.L_overlay_start_1:
0x0: {  	(tag) =	ssettag $0x1  }
0x1: {  	s1 =	srdreg.scid  }
0x2: {  	s0 =	stileid.u32;
	s6 =	rddreg [dreg:$0x0];
	s2 =	simm.s32 $0x0  }
0x3: {  	s28 =	simm.s32 $0x3A80;
	s29 =	simm.s32 $0x6868;
	s30 =	simm.s32 $0x4100  }
0x4: {  	s31 =	simm.s32 $0x68D0;
	s14 =	simm.s32 $0x6938;
	s15 =	simm.s32 $0x4E00  }
0x5: {  	s16 =	simm.s32 $0x69A0;
	s17 =	simm.s32 $0x5480;
	s18 =	simm.s32 $0x6A08  }
0x6: {  	s19 =	simm.s32 $0x5B00;
	s20 =	simm.s32 $0x6A70;
	s21 =	simm.s32 $0x6180  }
0x7: {  	s22 =	simm.s32 $0x6AD8;
	s23 =	simm.s32 $0x1;
	s5 =	sand.u32 $0x1, s1  }
0x8: {  	s3 =	sshll.u32 s0, $0x8;
	[smem:$0x7FF] =	sst s2;
	s7 =	smul.u32 $0xD000, s0  }
0x9: {  	s9 =	smul.u32 $0xD00, s0;
	_ =	strace $0x80000047;
	[dreg:$0x2] =	wrdreg s28  }
0xa: {  	s4 =	sshll.u32 s5, $0x7;
	s11 =	smul.u32 $0x6800, s5;
	[dreg:$0x3] =	wrdreg s29  }
0xb: {  	s10 =	ssub.s32 $0x2, s5;
	s13 =	smul.u32 $0x680, s5;
	[dreg:$0x4] =	wrdreg s30  }
0xc: {  	[dreg:$0x5] =	wrdreg s31;
	s3 =	sor.u32 s4, s3;
	s4 =	sadd.s32 $0x506E00, s6  }
0xd: {  	s7 =	sadd.s32 s7, s6;
	s12 =	sshrl.u32 s10, $0x1;
	s9 =	sadd.s32 s9, s6  }
0xe: {  	s3 =	smul.u32 $0xD, s3;
	s10 =	ssub.s32 s10, s12;
	s24 =	sadd.s32 s11, s7  }
0xf: {  	s26 =	sadd.s32 s13, s9;
	s9 =	simm.s32 $0x3;
	s11 =	simm.s32 $0x3400  }
0x10: {  	s12 =	simm.s32 $0x6800;
	s13 =	simm.s32 $0x4780;
	s7 =	smax.u32 s10, $0x1  }
0x11: {  	s10 =	simm.s32 $0x68;
	s8 =	sadd.s32 s3, s6;
	s3 =	sadd.s32 $0xEE00, s6  }
0x12: {  	s6 =	sadd.s32 $0x556600, s24;
	s24 =	simm.s32 $0x2;
	s25 =	sadd.s32 $0x1E00, s8  }
0x13: {  	s8 =	sadd.s32 $0x626600, s26;
	[dreg:$0x6] =	wrdreg s25;
	s25 =	simm.s32 $0x0  }
.LBB2_1:
0x14: {  	s0 =	rddreg [dreg:$0x6]  }
0x15: {  	[tilespmem:s2], [sflag:$0x3] =	stream.linear.gather [hbm4b:s0+s2], $0x3400, $0x38;
	[tilespmem:$0x6B40] =	vst v63  }
0x16: {  	_ =	swait.ge [sflag:s9], $0x3400  }
0x17: {  	[sflag:s9] =	ssyncset.done $0x0  }
0x18: {  	s26 =	simm.s32 $0x0;
	[sflag:s9] =	ssyncadd.s32 $0xFFFFCC00  }
0x19: {  	[tilespmem:s11], [sflag:$0x1] =	stream.indirect.gather [hbm4b:s3+s10], $0x10, s26, s10, $0xb8;
	[tilespmem:$0x6B40] =	vst v63  }
0x1a: {  	_ = 	snop  }
0x1b: {  	[tilespmem:s12], [sflag:$0x2] =	stream.indirect.gather [hbm4b:s4+s10], $0x1, s26, s10, $0xb8;
	[tilespmem:$0x6B40] =	vst v63  }
0x1c: {  	s1 =	simm.s32 $0x68;
	s28 =	rddreg [dreg:$0x2]  }
0x1d: {  	[tilespmem:s28], [sflag:$0x1] =	stream.indirect.gather [hbm4b:s3+s10], $0x10, s1, s10, $0xb8;
	[tilespmem:$0x6B40] =	vst v63  }
0x1e: {  	s29 =	rddreg [dreg:$0x3]  }
0x1f: {  	[tilespmem:s29], [sflag:$0x2] =	stream.indirect.gather [hbm4b:s4+s10], $0x1, s1, s10, $0xb8;
	[tilespmem:$0x6B40] =	vst v63  }
0x20: {  	s5 =	simm.s32 $0xD0;
	s28 =	rddreg [dreg:$0x4]  }
0x21: {  	[tilespmem:s28], [sflag:$0x1] =	stream.indirect.gather [hbm4b:s3+s10], $0x10, s5, s10, $0xb8;
	[tilespmem:$0x6B40] =	vst v63  }
0x22: {  	s29 =	rddreg [dreg:$0x5]  }
0x23: {  	[tilespmem:s29], [sflag:$0x2] =	stream.indirect.gather [hbm4b:s4+s10], $0x1, s5, s10, $0xb8;
	[tilespmem:$0x6B40] =	vst v63  }
0x24: {  	s30 =	simm.s32 $0x138  }
0x25: {  	[tilespmem:s13], [sflag:$0x1] =	stream.indirect.gather [hbm4b:s3+s10], $0x10, s30, s10, $0xb8;
	[tilespmem:$0x6B40] =	vst v63  }
0x26: {  	_ = 	snop  }
0x27: {  	[tilespmem:s14], [sflag:$0x2] =	stream.indirect.gather [hbm4b:s4+s10], $0x1, s30, s10, $0xb8;
	[tilespmem:$0x6B40] =	vst v63  }
0x28: {  	s0 =	simm.s32 $0x1A0  }
0x29: {  	[tilespmem:s15], [sflag:$0x1] =	stream.indirect.gather [hbm4b:s3+s10], $0x10, s0, s10, $0xb8;
	[tilespmem:$0x6B40] =	vst v63  }
0x2a: {  	_ = 	snop  }
0x2b: {  	[tilespmem:s16], [sflag:$0x2] =	stream.indirect.gather [hbm4b:s4+s10], $0x1, s0, s10, $0xb8;
	[tilespmem:$0x6B40] =	vst v63  }
0x2c: {  	s1 =	simm.s32 $0x208  }
0x2d: {  	[tilespmem:s17], [sflag:$0x1] =	stream.indirect.gather [hbm4b:s3+s10], $0x10, s1, s10, $0xb8;
	[tilespmem:$0x6B40] =	vst v63  }
0x2e: {  	_ = 	snop  }
0x2f: {  	[tilespmem:s18], [sflag:$0x2] =	stream.indirect.gather [hbm4b:s4+s10], $0x1, s1, s10, $0xb8;
	[tilespmem:$0x6B40] =	vst v63  }
0x30: {  	s5 =	simm.s32 $0x270  }
0x31: {  	[tilespmem:s19], [sflag:$0x1] =	stream.indirect.gather [hbm4b:s3+s10], $0x10, s5, s10, $0xb8;
	[tilespmem:$0x6B40] =	vst v63  }
0x32: {  	_ = 	snop  }
0x33: {  	[tilespmem:s20], [sflag:$0x2] =	stream.indirect.gather [hbm4b:s4+s10], $0x1, s5, s10, $0xb8;
	[tilespmem:$0x6B40] =	vst v63  }
0x34: {  	s30 =	simm.s32 $0x2D8  }
0x35: {  	[tilespmem:s21], [sflag:$0x1] =	stream.indirect.gather [hbm4b:s3+s10], $0x10, s30, s10, $0xb8;
	[tilespmem:$0x6B40] =	vst v63  }
0x36: {  	_ = 	snop  }
0x37: {  	[tilespmem:s22], [sflag:$0x2] =	stream.indirect.gather [hbm4b:s4+s10], $0x1, s30, s10, $0xb8;
	[tilespmem:$0x6B40] =	vst v63  }
0x38: {  	_ =	swait.ge [sflag:s23], $0x680  }
0x39: {  	[sflag:s23] =	ssyncset.done $0x0  }
0x3a: {  	[sflag:s23] =	ssyncadd.s32 $0xFFFFF980  }
0x3b: {  	_ =	swait.ge [sflag:s24], $0x68  }
0x3c: {  	[sflag:s24] =	ssyncset.done $0x0  }
0x3d: {  	[sflag:s24] =	ssyncadd.s32 $0xFFFFFF98  }
0x3e: {  	_ =	swait.ge [sflag:s23], $0x680  }
0x3f: {  	[sflag:s23] =	ssyncset.done $0x0  }
0x40: {  	[sflag:s23] =	ssyncadd.s32 $0xFFFFF980  }
0x41: {  	_ =	swait.ge [sflag:s24], $0x68  }
0x42: {  	[sflag:s24] =	ssyncset.done $0x0  }
0x43: {  	[sflag:s24] =	ssyncadd.s32 $0xFFFFFF98  }
0x44: {  	_ =	swait.ge [sflag:s23], $0x680  }
0x45: {  	[sflag:s23] =	ssyncset.done $0x0  }
0x46: {  	[sflag:s23] =	ssyncadd.s32 $0xFFFFF980  }
0x47: {  	_ =	swait.ge [sflag:s24], $0x68  }
0x48: {  	[sflag:s24] =	ssyncset.done $0x0  }
0x49: {  	[sflag:s24] =	ssyncadd.s32 $0xFFFFFF98  }
0x4a: {  	_ =	swait.ge [sflag:s23], $0x680  }
0x4b: {  	[sflag:s23] =	ssyncset.done $0x0  }
0x4c: {  	[sflag:s23] =	ssyncadd.s32 $0xFFFFF980  }
0x4d: {  	_ =	swait.ge [sflag:s24], $0x68  }
0x4e: {  	[sflag:s24] =	ssyncset.done $0x0  }
0x4f: {  	[sflag:s24] =	ssyncadd.s32 $0xFFFFFF98  }
0x50: {  	_ =	swait.ge [sflag:s23], $0x680  }
0x51: {  	[sflag:s23] =	ssyncset.done $0x0  }
0x52: {  	[sflag:s23] =	ssyncadd.s32 $0xFFFFF980  }
0x53: {  	_ =	swait.ge [sflag:s24], $0x68  }
0x54: {  	[sflag:s24] =	ssyncset.done $0x0  }
0x55: {  	[sflag:s24] =	ssyncadd.s32 $0xFFFFFF98  }
0x56: {  	_ =	swait.ge [sflag:s23], $0x680  }
0x57: {  	[sflag:s23] =	ssyncset.done $0x0  }
0x58: {  	[sflag:s23] =	ssyncadd.s32 $0xFFFFF980  }
0x59: {  	_ =	swait.ge [sflag:s24], $0x68  }
0x5a: {  	[sflag:s24] =	ssyncset.done $0x0  }
0x5b: {  	[sflag:s24] =	ssyncadd.s32 $0xFFFFFF98  }
0x5c: {  	_ =	swait.ge [sflag:s23], $0x680  }
0x5d: {  	[sflag:s23] =	ssyncset.done $0x0  }
0x5e: {  	[sflag:s23] =	ssyncadd.s32 $0xFFFFF980  }
0x5f: {  	_ =	swait.ge [sflag:s24], $0x68  }
0x60: {  	[sflag:s24] =	ssyncset.done $0x0  }
0x61: {  	[sflag:s24] =	ssyncadd.s32 $0xFFFFFF98  }
0x62: {  	_ =	swait.ge [sflag:s23], $0x680  }
0x63: {  	[sflag:s23] =	ssyncset.done $0x0  }
0x64: {  	[sflag:s23] =	ssyncadd.s32 $0xFFFFF980  }
0x65: {  	_ =	swait.ge [sflag:s24], $0x68  }
0x66: {  	[sflag:s24] =	ssyncset.done $0x0  }
0x67: {  	[sflag:s24] =	ssyncadd.s32 $0xFFFFFF98  }
0x68: {  	[hbm4b:s6+s2] =	stream.linear.scatter [tilespmem:s11], [sflag:$0x3], $0x3400, $0x38;
	[tilespmem:$0x6B40] =	vst v63  }
0x69: {  	_ =	swait.ge [sflag:s9], $0x3400  }
0x6a: {  	[sflag:s9] =	ssyncset.done $0x0  }
0x6b: {  	[sflag:s9] =	ssyncadd.s32 $0xFFFFCC00  }
0x6c: {  	[hbm4b:s8+s2] =	stream.linear.scatter [tilespmem:s12], [sflag:$0x3], $0x340, $0x38;
	[tilespmem:$0x6B40] =	vst v63  }
0x6d: {  	s31 =	simm.s32 $0x1A00;
	s26 =	sadd.s32 $0x68, s8;
	_ =	swait.ge [sflag:s9], $0x340  }
0x6e: {  	s28 =	sadd.s32 $0x680, s6;
	s29 =	simm.s32 $0xD00;
	[sflag:s9] =	ssyncset.done $0x0  }
.LBB2_2:
0x6f: {  	s1 =	sshra.s32 s29, $0x2;
	[sflag:s9] =	ssyncadd.s32 $0xFFFFFCC0  }
0x70: {  	[tilespmem:s11], [sflag:$0x1] =	stream.indirect.gather [hbm4b:s3+s10], $0x10, s1, s10, $0xb8;
	[tilespmem:$0x6B40] =	vst v63  }
0x71: {  	s29 =	smov.u32 s31;
	s30 =	sadd.s32 $0xD00, s31  }
0x72: {  	[tilespmem:s12], [sflag:$0x2] =	stream.indirect.gather [hbm4b:s4+s10], $0x1, s1, s10, $0xb8;
	[tilespmem:$0x6B40] =	vst v63  }
0x73: {  	p0 =	sne.s32 s31, $0xC300;
	s31 =	rddreg [dreg:$0x2];
	s0 =	sadd.s32 $0x68, s1  }
0x74: {  	[tilespmem:s31], [sflag:$0x1] =	stream.indirect.gather [hbm4b:s3+s10], $0x10, s0, s10, $0xb8;
	[tilespmem:$0x6B40] =	vst v63  }
0x75: {  	s5 =	rddreg [dreg:$0x3]  }
0x76: {  	[tilespmem:s5], [sflag:$0x2] =	stream.indirect.gather [hbm4b:s4+s10], $0x1, s0, s10, $0xb8;
	[tilespmem:$0x6B40] =	vst v63  }
0x77: {  	s31 =	rddreg [dreg:$0x4];
	s0 =	sadd.s32 $0xD0, s1  }
0x78: {  	[tilespmem:s31], [sflag:$0x1] =	stream.indirect.gather [hbm4b:s3+s10], $0x10, s0, s10, $0xb8;
	[tilespmem:$0x6B40] =	vst v63  }
0x79: {  	s5 =	rddreg [dreg:$0x5]  }
0x7a: {  	[tilespmem:s5], [sflag:$0x2] =	stream.indirect.gather [hbm4b:s4+s10], $0x1, s0, s10, $0xb8;
	[tilespmem:$0x6B40] =	vst v63  }
0x7b: {  	s5 =	sadd.s32 $0x138, s1  }
0x7c: {  	[tilespmem:s13], [sflag:$0x1] =	stream.indirect.gather [hbm4b:s3+s10], $0x10, s5, s10, $0xb8;
	[tilespmem:$0x6B40] =	vst v63  }
0x7d: {  	_ = 	snop  }
0x7e: {  	[tilespmem:s14], [sflag:$0x2] =	stream.indirect.gather [hbm4b:s4+s10], $0x1, s5, s10, $0xb8;
	[tilespmem:$0x6B40] =	vst v63  }
0x7f: {  	s5 =	sadd.s32 $0x1A0, s1  }
0x80: {  	[tilespmem:s15], [sflag:$0x1] =	stream.indirect.gather [hbm4b:s3+s10], $0x10, s5, s10, $0xb8;
	[tilespmem:$0x6B40] =	vst v63  }
0x81: {  	_ = 	snop  }
0x82: {  	[tilespmem:s16], [sflag:$0x2] =	stream.indirect.gather [hbm4b:s4+s10], $0x1, s5, s10, $0xb8;
	[tilespmem:$0x6B40] =	vst v63  }
0x83: {  	s5 =	sadd.s32 $0x208, s1  }
0x84: {  	[tilespmem:s17], [sflag:$0x1] =	stream.indirect.gather [hbm4b:s3+s10], $0x10, s5, s10, $0xb8;
	[tilespmem:$0x6B40] =	vst v63  }
0x85: {  	_ = 	snop  }
0x86: {  	[tilespmem:s18], [sflag:$0x2] =	stream.indirect.gather [hbm4b:s4+s10], $0x1, s5, s10, $0xb8;
	[tilespmem:$0x6B40] =	vst v63  }
0x87: {  	s5 =	sadd.s32 $0x270, s1  }
0x88: {  	[tilespmem:s19], [sflag:$0x1] =	stream.indirect.gather [hbm4b:s3+s10], $0x10, s5, s10, $0xb8;
	[tilespmem:$0x6B40] =	vst v63  }
0x89: {  	_ = 	snop  }
0x8a: {  	[tilespmem:s20], [sflag:$0x2] =	stream.indirect.gather [hbm4b:s4+s10], $0x1, s5, s10, $0xb8;
	[tilespmem:$0x6B40] =	vst v63  }
0x8b: {  	s5 =	sadd.s32 $0x2D8, s1  }
0x8c: {  	[tilespmem:s21], [sflag:$0x1] =	stream.indirect.gather [hbm4b:s3+s10], $0x10, s5, s10, $0xb8;
	[tilespmem:$0x6B40] =	vst v63  }
0x8d: {  	_ = 	snop  }
0x8e: {  	[tilespmem:s22], [sflag:$0x2] =	stream.indirect.gather [hbm4b:s4+s10], $0x1, s5, s10, $0xb8;
	[tilespmem:$0x6B40] =	vst v63  }
0x8f: {  	_ =	swait.ge [sflag:s23], $0x680  }
0x90: {  	[sflag:s23] =	ssyncset.done $0x0  }
0x91: {  	[sflag:s23] =	ssyncadd.s32 $0xFFFFF980  }
0x92: {  	_ =	swait.ge [sflag:s24], $0x68  }
0x93: {  	[sflag:s24] =	ssyncset.done $0x0  }
0x94: {  	[sflag:s24] =	ssyncadd.s32 $0xFFFFFF98  }
0x95: {  	_ =	swait.ge [sflag:s23], $0x680  }
0x96: {  	[sflag:s23] =	ssyncset.done $0x0  }
0x97: {  	[sflag:s23] =	ssyncadd.s32 $0xFFFFF980  }
0x98: {  	_ =	swait.ge [sflag:s24], $0x68  }
0x99: {  	[sflag:s24] =	ssyncset.done $0x0  }
0x9a: {  	[sflag:s24] =	ssyncadd.s32 $0xFFFFFF98  }
0x9b: {  	_ =	swait.ge [sflag:s23], $0x680  }
0x9c: {  	[sflag:s23] =	ssyncset.done $0x0  }
0x9d: {  	[sflag:s23] =	ssyncadd.s32 $0xFFFFF980  }
0x9e: {  	_ =	swait.ge [sflag:s24], $0x68  }
0x9f: {  	[sflag:s24] =	ssyncset.done $0x0  }
0xa0: {  	[sflag:s24] =	ssyncadd.s32 $0xFFFFFF98  }
0xa1: {  	_ =	swait.ge [sflag:s23], $0x680  }
0xa2: {  	[sflag:s23] =	ssyncset.done $0x0  }
0xa3: {  	[sflag:s23] =	ssyncadd.s32 $0xFFFFF980  }
0xa4: {  	_ =	swait.ge [sflag:s24], $0x68  }
0xa5: {  	[sflag:s24] =	ssyncset.done $0x0  }
0xa6: {  	[sflag:s24] =	ssyncadd.s32 $0xFFFFFF98  }
0xa7: {  	_ =	swait.ge [sflag:s23], $0x680  }
0xa8: {  	[sflag:s23] =	ssyncset.done $0x0  }
0xa9: {  	[sflag:s23] =	ssyncadd.s32 $0xFFFFF980  }
0xaa: {  	_ =	swait.ge [sflag:s24], $0x68  }
0xab: {  	[sflag:s24] =	ssyncset.done $0x0  }
0xac: {  	[sflag:s24] =	ssyncadd.s32 $0xFFFFFF98  }
0xad: {  	_ =	swait.ge [sflag:s23], $0x680  }
0xae: {  	[sflag:s23] =	ssyncset.done $0x0  }
0xaf: {  	[sflag:s23] =	ssyncadd.s32 $0xFFFFF980  }
0xb0: {  	_ =	swait.ge [sflag:s24], $0x68  }
0xb1: {  	[sflag:s24] =	ssyncset.done $0x0  }
0xb2: {  	[sflag:s24] =	ssyncadd.s32 $0xFFFFFF98  }
0xb3: {  	_ =	swait.ge [sflag:s23], $0x680  }
0xb4: {  	[sflag:s23] =	ssyncset.done $0x0  }
0xb5: {  	[sflag:s23] =	ssyncadd.s32 $0xFFFFF980  }
0xb6: {  	_ =	swait.ge [sflag:s24], $0x68  }
0xb7: {  	[sflag:s24] =	ssyncset.done $0x0  }
0xb8: {  	[sflag:s24] =	ssyncadd.s32 $0xFFFFFF98  }
0xb9: {  	_ =	swait.ge [sflag:s23], $0x680  }
0xba: {  	[sflag:s23] =	ssyncset.done $0x0  }
0xbb: {  	[sflag:s23] =	ssyncadd.s32 $0xFFFFF980  }
0xbc: {  	_ =	swait.ge [sflag:s24], $0x68  }
0xbd: {  	[sflag:s24] =	ssyncset.done $0x0  }
0xbe: {  	[sflag:s24] =	ssyncadd.s32 $0xFFFFFF98  }
0xbf: {  	[hbm4b:s28+s2] =	stream.linear.scatter [tilespmem:s11], [sflag:$0x3], $0x3400, $0x38;
	[tilespmem:$0x6B40] =	vst v63  }
0xc0: {  	_ =	swait.ge [sflag:s9], $0x3400  }
.Ltmp0:
0xc1: {  	[sflag:s9] =	ssyncset.done $0x0;
	(pc) =	sbr.rel @p0 .LBB2_2-.Ltmp0, $4  }
0xc2: {  	[sflag:s9] =	ssyncadd.s32 $0xFFFFCC00  }
0xc3: {  	[hbm4b:s26+s2] =	stream.linear.scatter [tilespmem:s12], [sflag:$0x3], $0x340, $0x38;
	[tilespmem:$0x6B40] =	vst v63  }
0xc4: {  	s31 =	smov.u32 s30;
	_ =	swait.ge [sflag:s9], $0x340  }
0xc5: {  	s28 =	sadd.s32 $0x680, s28;
	s26 =	sadd.s32 $0x68, s26;
	[sflag:s9] =	ssyncset.done $0x0  }
0xc6: {  	s0 =	sshra.s32 s29, $0x2;
	[sflag:s9] =	ssyncadd.s32 $0xFFFFFCC0  }
0xc7: {  	[tilespmem:s11], [sflag:$0x1] =	stream.indirect.gather [hbm4b:s3+s10], $0x10, s0, s10, $0xb8;
	[tilespmem:$0x6B40] =	vst v63  }
0xc8: {  	_ = 	snop  }
0xc9: {  	[tilespmem:s12], [sflag:$0x2] =	stream.indirect.gather [hbm4b:s4+s10], $0x1, s0, s10, $0xb8;
	[tilespmem:$0x6B40] =	vst v63  }
0xca: {  	s1 =	rddreg [dreg:$0x2];
	s5 =	sadd.s32 $0x68, s0  }
0xcb: {  	[tilespmem:s1], [sflag:$0x1] =	stream.indirect.gather [hbm4b:s3+s10], $0x10, s5, s10, $0xb8;
	[tilespmem:$0x6B40] =	vst v63  }
0xcc: {  	s31 =	rddreg [dreg:$0x3]  }
0xcd: {  	[tilespmem:s31], [sflag:$0x2] =	stream.indirect.gather [hbm4b:s4+s10], $0x1, s5, s10, $0xb8;
	[tilespmem:$0x6B40] =	vst v63  }
0xce: {  	s30 =	sadd.s32 $0xD0, s0;
	s1 =	rddreg [dreg:$0x4]  }
0xcf: {  	[tilespmem:s1], [sflag:$0x1] =	stream.indirect.gather [hbm4b:s3+s10], $0x10, s30, s10, $0xb8;
	[tilespmem:$0x6B40] =	vst v63  }
0xd0: {  	s31 =	rddreg [dreg:$0x5]  }
0xd1: {  	[tilespmem:s31], [sflag:$0x2] =	stream.indirect.gather [hbm4b:s4+s10], $0x1, s30, s10, $0xb8;
	[tilespmem:$0x6B40] =	vst v63  }
0xd2: {  	s5 =	sadd.s32 $0x138, s0  }
0xd3: {  	[tilespmem:s13], [sflag:$0x1] =	stream.indirect.gather [hbm4b:s3+s10], $0x10, s5, s10, $0xb8;
	[tilespmem:$0x6B40] =	vst v63  }
0xd4: {  	_ = 	snop  }
0xd5: {  	[tilespmem:s14], [sflag:$0x2] =	stream.indirect.gather [hbm4b:s4+s10], $0x1, s5, s10, $0xb8;
	[tilespmem:$0x6B40] =	vst v63  }
0xd6: {  	s29 =	sadd.s32 $0x1A0, s0  }
0xd7: {  	[tilespmem:s15], [sflag:$0x1] =	stream.indirect.gather [hbm4b:s3+s10], $0x10, s29, s10, $0xb8;
	[tilespmem:$0x6B40] =	vst v63  }
0xd8: {  	_ = 	snop  }
0xd9: {  	[tilespmem:s16], [sflag:$0x2] =	stream.indirect.gather [hbm4b:s4+s10], $0x1, s29, s10, $0xb8;
	[tilespmem:$0x6B40] =	vst v63  }
0xda: {  	s30 =	sadd.s32 $0x208, s0  }
0xdb: {  	[tilespmem:s17], [sflag:$0x1] =	stream.indirect.gather [hbm4b:s3+s10], $0x10, s30, s10, $0xb8;
	[tilespmem:$0x6B40] =	vst v63  }
0xdc: {  	_ = 	snop  }
0xdd: {  	[tilespmem:s18], [sflag:$0x2] =	stream.indirect.gather [hbm4b:s4+s10], $0x1, s30, s10, $0xb8;
	[tilespmem:$0x6B40] =	vst v63  }
0xde: {  	s31 =	sadd.s32 $0x270, s0  }
0xdf: {  	[tilespmem:s19], [sflag:$0x1] =	stream.indirect.gather [hbm4b:s3+s10], $0x10, s31, s10, $0xb8;
	[tilespmem:$0x6B40] =	vst v63  }
0xe0: {  	_ = 	snop  }
0xe1: {  	[tilespmem:s20], [sflag:$0x2] =	stream.indirect.gather [hbm4b:s4+s10], $0x1, s31, s10, $0xb8;
	[tilespmem:$0x6B40] =	vst v63  }
0xe2: {  	s0 =	sadd.s32 $0x2D8, s0  }
0xe3: {  	[tilespmem:s21], [sflag:$0x1] =	stream.indirect.gather [hbm4b:s3+s10], $0x10, s0, s10, $0xb8;
	[tilespmem:$0x6B40] =	vst v63  }
0xe4: {  	_ = 	snop  }
0xe5: {  	[tilespmem:s22], [sflag:$0x2] =	stream.indirect.gather [hbm4b:s4+s10], $0x1, s0, s10, $0xb8;
	[tilespmem:$0x6B40] =	vst v63  }
0xe6: {  	_ =	swait.ge [sflag:s23], $0x680  }
0xe7: {  	[sflag:s23] =	ssyncset.done $0x0  }
0xe8: {  	[sflag:s23] =	ssyncadd.s32 $0xFFFFF980  }
0xe9: {  	_ =	swait.ge [sflag:s24], $0x68  }
0xea: {  	[sflag:s24] =	ssyncset.done $0x0  }
0xeb: {  	[sflag:s24] =	ssyncadd.s32 $0xFFFFFF98  }
0xec: {  	_ =	swait.ge [sflag:s23], $0x680  }
0xed: {  	[sflag:s23] =	ssyncset.done $0x0  }
0xee: {  	[sflag:s23] =	ssyncadd.s32 $0xFFFFF980  }
0xef: {  	_ =	swait.ge [sflag:s24], $0x68  }
0xf0: {  	[sflag:s24] =	ssyncset.done $0x0  }
0xf1: {  	[sflag:s24] =	ssyncadd.s32 $0xFFFFFF98  }
0xf2: {  	_ =	swait.ge [sflag:s23], $0x680  }
0xf3: {  	[sflag:s23] =	ssyncset.done $0x0  }
0xf4: {  	[sflag:s23] =	ssyncadd.s32 $0xFFFFF980  }
0xf5: {  	_ =	swait.ge [sflag:s24], $0x68  }
0xf6: {  	[sflag:s24] =	ssyncset.done $0x0  }
0xf7: {  	[sflag:s24] =	ssyncadd.s32 $0xFFFFFF98  }
0xf8: {  	_ =	swait.ge [sflag:s23], $0x680  }
0xf9: {  	[sflag:s23] =	ssyncset.done $0x0  }
0xfa: {  	[sflag:s23] =	ssyncadd.s32 $0xFFFFF980  }
0xfb: {  	_ =	swait.ge [sflag:s24], $0x68  }
0xfc: {  	[sflag:s24] =	ssyncset.done $0x0  }
0xfd: {  	[sflag:s24] =	ssyncadd.s32 $0xFFFFFF98  }
0xfe: {  	_ =	swait.ge [sflag:s23], $0x680  }
0xff: {  	[sflag:s23] =	ssyncset.done $0x0  }
0x100: {  	[sflag:s23] =	ssyncadd.s32 $0xFFFFF980  }
0x101: {  	_ =	swait.ge [sflag:s24], $0x68  }
0x102: {  	[sflag:s24] =	ssyncset.done $0x0  }
0x103: {  	[sflag:s24] =	ssyncadd.s32 $0xFFFFFF98  }
0x104: {  	_ =	swait.ge [sflag:s23], $0x680  }
0x105: {  	[sflag:s23] =	ssyncset.done $0x0  }
0x106: {  	[sflag:s23] =	ssyncadd.s32 $0xFFFFF980  }
0x107: {  	_ =	swait.ge [sflag:s24], $0x68  }
0x108: {  	[sflag:s24] =	ssyncset.done $0x0  }
0x109: {  	[sflag:s24] =	ssyncadd.s32 $0xFFFFFF98  }
0x10a: {  	_ =	swait.ge [sflag:s23], $0x680  }
0x10b: {  	[sflag:s23] =	ssyncset.done $0x0  }
0x10c: {  	[sflag:s23] =	ssyncadd.s32 $0xFFFFF980  }
0x10d: {  	_ =	swait.ge [sflag:s24], $0x68  }
0x10e: {  	[sflag:s24] =	ssyncset.done $0x0  }
0x10f: {  	[sflag:s24] =	ssyncadd.s32 $0xFFFFFF98  }
0x110: {  	_ =	swait.ge [sflag:s23], $0x680  }
0x111: {  	[sflag:s23] =	ssyncset.done $0x0  }
0x112: {  	[sflag:s23] =	ssyncadd.s32 $0xFFFFF980  }
0x113: {  	_ =	swait.ge [sflag:s24], $0x68  }
0x114: {  	[sflag:s24] =	ssyncset.done $0x0  }
0x115: {  	[sflag:s24] =	ssyncadd.s32 $0xFFFFFF98  }
0x116: {  	[hbm4b:s28+s2] =	stream.linear.scatter [tilespmem:s11], [sflag:$0x3], $0x3400, $0x38;
	[tilespmem:$0x6B40] =	vst v63  }
0x117: {  	s25 =	sadd.s32 $0x1, s25;
	_ =	swait.ge [sflag:s9], $0x3400  }
0x118: {  	p0 =	sne.s32 s25, s7;
	[sflag:s9] =	ssyncset.done $0x0  }
.Ltmp1:
0x119: {  	[sflag:s9] =	ssyncadd.s32 $0xFFFFCC00;
	(pc) =	sbr.rel @p0 .LBB2_1-.Ltmp1, $4  }
0x11a: {  	[hbm4b:s26+s2] =	stream.linear.scatter [tilespmem:s12], [sflag:$0x3], $0x340, $0x38;
	[tilespmem:$0x6B40] =	vst v63  }
0x11b: {  	_ =	swait.ge [sflag:s9], $0x340  }
0x11c: {  	[sflag:s9] =	ssyncset.done $0x0  }
0x11d: {  	[sflag:s9] =	ssyncadd.s32 $0xFFFFFCC0  }
0x11e: {  	_ =	sfence.sel $0x180000  }
0x11f: {  	[bflag:$0x0] =	sbarrier.arrive $0xFFFF  }
0x120: {  	_ =	strace $0x90000047  }
0x121: {  	s0 =	stileid.u32;
	[bflag:$0x2] =	sbarrier.arrive $0xFFFF  }
0x122: {  	p0 =	sne.s32 s0, $0x0;
	s0 =	rddreg [dreg:$0x1]  }
0x123: {  	s0 =	sadd.s32 @!p0 $0x100000, s0  }
0x124: {  	[sflag:s0] =	ssyncadd.tile.s32 @!p0 $0x1;
	_ =	shalt  }
.Lfunc_end2:
_tile_overlayer_lowered:
.L_overlay_start_2:
0x125: {  	(tag) =	ssettag $0x2  }
0x126: {  	s0 =	rddreg [dreg:$0x0];
	s2 =	stileid.u32  }
0x127: {  	s1 =	rddreg [dreg:$0x1];
	p0 =	sne.s32 s2, $0x0  }
0x128: {  	s3 =	rddreg [dreg:$0x2];
	[bflag:$0x3] =	sbarrier.arrive $0xFFFF;
	s2 =	simm.s32 @!p0 $0x1C03  }
0x129: {  	[timem:s3], [sflag:s2] =	dma.local @!p0 [hbm:s0], s1  }
0x12a: {  	s0 =	simm.s32 @!p0 $0x3  }
0x12b: {  	_ =	swait.ge @!p0 [sflag:s0], s1  }
0x12c: {  	s1 =	ssub.s32 @!p0 $0x0, s1;
	[sflag:s0] =	ssyncset.done @!p0 $0x0  }
0x12d: {  	[sflag:s0] =	ssyncadd.s32 @!p0 s1  }
0x12e: {  	[bflag:$0x3] =	sbarrier.arrive $0xFFFF  }
0x12f: {  	_ =	shalt  }

</sc_bundles>
